<compile_context>
chip_gen: v7x
topology: tpu7x:2x2x1
jax: 0.10.2.dev20260603
libtpu: 0.0.44.dev20260713+nightly
codegen_flags: <defaults>
</compile_context>

<pallas_src>
import functools

import jax
import jax.numpy as jnp
from jax import lax
from jax.experimental import pallas as pl
from jax.experimental.pallas import tpu as pltpu
from jax.experimental.pallas import tpu_sc as plsc

N = 10000
NPAD = 10240
E = 160000
EPAD = 163840
K = 128
CHUNKS = EPAD // (16 * K)
DCHUNKS = EPAD // (2 * 16 * K)
ROWS_PER_SUB = NPAD // 16
HALF = 128

_mesh = functools.partial(
    plsc.VectorSubcoreMesh, core_axis_name="c", subcore_axis_name="s",
    num_cores=2, num_subcores=16)


def _deg_body(dst_hbm, out_hbm, acc, dstv, e0, z):
    c = lax.axis_index("c")
    s = lax.axis_index("s")
    base = s * ROWS_PER_SUB

    one = jnp.where(lax.iota(jnp.int32, 16) == 0, 1.0, 0.0).astype(jnp.float32)
    zero = jnp.zeros((16,), jnp.float32)

    def init_rows(i, _):
        e0[i, :] = one
        z[i, :] = zero
        return 0
    lax.fori_loop(0, K, init_rows, 0)

    def zslice(t, _):
        pltpu.sync_copy(z, acc.at[pl.ds(base + t * K, K)])
        return 0
    lax.fori_loop(0, ROWS_PER_SUB // K, zslice, 0)

    @pl.when(c == 0)
    def _():
        pltpu.sync_copy(dst_hbm.at[0, s], dstv)

    @pl.when(c == 1)
    def _():
        pltpu.sync_copy(dst_hbm.at[1, s], dstv)

    plsc.subcore_barrier()

    def chunk(j, _):
        pltpu.sync_copy(e0, acc.at[dstv.at[j]], add=True)
        return 0
    lax.fori_loop(0, DCHUNKS, chunk, 0)

    plsc.subcore_barrier()

    @pl.when(c == 0)
    def _():
        pltpu.sync_copy(acc.at[pl.ds(base, ROWS_PER_SUB)],
                        out_hbm.at[0, pl.ds(base, ROWS_PER_SUB)])

    @pl.when(c == 1)
    def _():
        pltpu.sync_copy(acc.at[pl.ds(base, ROWS_PER_SUB)],
                        out_hbm.at[1, pl.ds(base, ROWS_PER_SUB)])


_deg_kernel = functools.partial(
    pl.kernel,
    out_type=jax.ShapeDtypeStruct((2, NPAD, 16), jnp.float32),
    mesh=_mesh(),
    scratch_types=[
        pltpu.VMEM_SHARED((NPAD, 16), jnp.float32),
        pltpu.VMEM((DCHUNKS, K), jnp.int32),
        pltpu.VMEM((K, 16), jnp.float32),
        pltpu.VMEM((K, 16), jnp.float32),
    ],
)(_deg_body)


GROUPS = CHUNKS // 2


SRC_STAGE = 16


def _agg_body(table_hbm, src_hbm, dst_hbm, out_hbm, acc, srcv, dstv, bufs,
              gsem):
    c = lax.axis_index("c")
    s = lax.axis_index("s")
    base = s * ROWS_PER_SUB

    pltpu.sync_copy(dst_hbm.at[s], dstv)
    pltpu.sync_copy(table_hbm.at[pl.ds(c * NPAD + base, ROWS_PER_SUB)],
                    acc.at[pl.ds(base, ROWS_PER_SUB)])
    plsc.subcore_barrier()

    def pair(t, _):
        q = t // (SRC_STAGE // 2)
        r0 = 2 * t - SRC_STAGE * q

        @pl.when(r0 == 0)
        def _():
            pltpu.sync_copy(src_hbm.at[c, s, pl.ds(q * SRC_STAGE, SRC_STAGE)],
                            srcv)

        d0 = pltpu.async_copy(table_hbm.at[srcv.at[r0]], bufs.at[0], gsem)
        d1 = pltpu.async_copy(table_hbm.at[srcv.at[r0 + 1]], bufs.at[1], gsem)

        d0.wait()
        pltpu.sync_copy(bufs.at[0], acc.at[dstv.at[2 * t]], add=True)
        d1.wait()
        pltpu.sync_copy(bufs.at[1], acc.at[dstv.at[2 * t + 1]], add=True)
        return 0
    lax.fori_loop(0, CHUNKS // 2, pair, 0)

    plsc.subcore_barrier()
    pltpu.sync_copy(acc.at[pl.ds(base, ROWS_PER_SUB)],
                    out_hbm.at[c, pl.ds(base, ROWS_PER_SUB)])


_agg_kernel = functools.partial(
    pl.kernel,
    out_type=jax.ShapeDtypeStruct((2, NPAD, HALF), jnp.float32),
    mesh=_mesh(),
    scratch_types=[
        pltpu.VMEM_SHARED((NPAD, HALF), jnp.float32),
        pltpu.VMEM((SRC_STAGE, K), jnp.int32),
        pltpu.VMEM((CHUNKS, K), jnp.int32),
        pltpu.VMEM((2, K, HALF), jnp.float32),
        pltpu.SemaphoreType.DMA,
    ],
)(_agg_body)


BLK = 640
GRID = NPAD // BLK


def _dinv_block(degparts_ref, i):
    dp = degparts_ref[:, pl.ds(i * BLK, BLK), 0]
    deg = 1.0 + dp[0] + dp[1]
    return lax.rsqrt(deg)


def _prescale_body(x_ref, degparts_ref, out_ref):
    i = pl.program_id(0)
    dinv = _dinv_block(degparts_ref, i)
    xs = x_ref[...] * dinv[:, None]
    out_ref[0] = xs[:, :HALF]
    out_ref[1] = xs[:, HALF:]


def _mlp_body(agg_ref, degparts_ref, w1_ref, b1_ref, w2_ref, out_ref):
    i = pl.program_id(0)
    dinv = _dinv_block(degparts_ref, i)
    a = jnp.concatenate([agg_ref[0], agg_ref[1]], axis=1) * dinv[:, None]
    h = jnp.maximum(
        jnp.dot(a, w1_ref[...], preferred_element_type=jnp.float32)
        + b1_ref[...], 0.0)
    t = jnp.dot(h, w2_ref[...], preferred_element_type=jnp.float32)
    t = t * dinv[:, None]
    out_ref[0] = t[:, :HALF]
    out_ref[1] = t[:, HALF:]


def _final_body(agg_ref, degparts_ref, b2_ref, out_ref):
    i = pl.program_id(0)
    dinv = _dinv_block(degparts_ref, i)
    a = jnp.concatenate([agg_ref[0], agg_ref[1]], axis=1)
    out_ref[...] = a * dinv[:, None] + b2_ref[...]


_degparts_spec = pl.BlockSpec((2, NPAD, 16), lambda i: (0, 0, 0))
_half_spec = pl.BlockSpec((2, BLK, HALF), lambda i: (0, i, 0))

_prescale = pl.pallas_call(
    _prescale_body,
    grid=(GRID,),
    in_specs=[pl.BlockSpec((BLK, 2 * HALF), lambda i: (i, 0)), _degparts_spec],
    out_specs=_half_spec,
    out_shape=jax.ShapeDtypeStruct((2, NPAD, HALF), jnp.float32),
)

_mlp = pl.pallas_call(
    _mlp_body,
    grid=(GRID,),
    in_specs=[
        _half_spec,
        _degparts_spec,
        pl.BlockSpec((256, 512), lambda i: (0, 0)),
        pl.BlockSpec((1, 512), lambda i: (0, 0)),
        pl.BlockSpec((512, 256), lambda i: (0, 0)),
    ],
    out_specs=_half_spec,
    out_shape=jax.ShapeDtypeStruct((2, NPAD, HALF), jnp.float32),
)

_final = pl.pallas_call(
    _final_body,
    grid=(GRID,),
    in_specs=[
        _half_spec,
        _degparts_spec,
        pl.BlockSpec((1, 256), lambda i: (0, 0)),
    ],
    out_specs=pl.BlockSpec((BLK, 2 * HALF), lambda i: (i, 0)),
    out_shape=jax.ShapeDtypeStruct((NPAD, 2 * HALF), jnp.float32),
)


def kernel(x, edge_index, W1, b1, W2, b2):
    src = edge_index[0].astype(jnp.int32)
    dst = edge_index[1].astype(jnp.int32)
    pad = jnp.full((EPAD - E,), N, jnp.int32)
    srcf = jnp.concatenate([src, pad]).reshape(1, 16, CHUNKS, K)
    srcp = jnp.concatenate([srcf, srcf + NPAD], axis=0)
    dstp = jnp.concatenate([dst, pad]).reshape(16, CHUNKS, K)
    dst_deg = jnp.concatenate([dst, pad]).reshape(2, 16, DCHUNKS, K)

    xpad = jnp.pad(x, ((0, NPAD - N), (0, 0)))

    degparts = _deg_kernel(dst_deg)
    xp = _prescale(xpad, degparts)
    agg1 = _agg_kernel(xp.reshape(2 * NPAD, HALF), srcp, dstp)
    t2 = _mlp(agg1, degparts, W1, b1.reshape(1, 512), W2)
    agg2 = _agg_kernel(t2.reshape(2 * NPAD, HALF), srcp, dstp)
    out = _final(agg2, degparts, b2.reshape(1, 256))
    return out[:N]

# --- scband reference (transcript-rebuilt; emitter-appended) ---
"""Pipeline reference for scband-euclidean-gcn-28887950033460 (READ-ONLY COPY).

The authoritative reference and input builder live on the scoring server;
editing this copy changes nothing except your own understanding.
"""

import jax, jax.numpy as jnp
import numpy as np

N_NODES = 10000
N_EDGES = 160000
IN_DIM = 256
HID_DIM = 512
OUT_DIM = 256


def gcn_conv(x, edge_index, W, b):
    """Faithful GCNConv: add self-loops, symmetric normalization, scatter-add aggregate."""
    num_nodes = x.shape[0]
    src = edge_index[0]
    dst = edge_index[1]
    loop = jnp.arange(num_nodes, dtype=src.dtype)
    src = jnp.concatenate([src, loop])
    dst = jnp.concatenate([dst, loop])
    # degree (computed on destination, includes self-loops)
    deg = jnp.zeros((num_nodes,), dtype=x.dtype).at[dst].add(1.0)
    dinv = jnp.where(deg > 0, deg ** -0.5, 0.0)
    norm = dinv[src] * dinv[dst]
    h = x @ W  # linear transform first (in_dim -> out_dim)
    msg = h[src] * norm[:, None]
    out = jnp.zeros((num_nodes, W.shape[1]), dtype=x.dtype).at[dst].add(msg)
    return out + b


def setup_inputs(seed: int = 0) -> dict:
    key = jax.random.key(seed)
    k1, k2, k3, k4, k5 = jax.random.split(key, 5)
    x = jax.random.normal(k1, (N_NODES, IN_DIM), dtype=jnp.float32)
    edge_index = jax.random.randint(k2, (2, N_EDGES), 0, N_NODES, dtype=jnp.int64)
    # glorot-style init for GCN weights
    W1 = jax.random.normal(k3, (IN_DIM, HID_DIM), dtype=jnp.float32) * (1.0 / np.sqrt(IN_DIM))
    b1 = jnp.zeros((HID_DIM,), dtype=jnp.float32)
    W2 = jax.random.normal(k4, (HID_DIM, OUT_DIM), dtype=jnp.float32) * (1.0 / np.sqrt(HID_DIM))
    b2 = jnp.zeros((OUT_DIM,), dtype=jnp.float32)
    return {"x": x, "edge_index": edge_index, "W1": W1, "b1": b1, "W2": W2, "b2": b2}


def reference(x, edge_index, W1, b1, W2, b2):
    # 2-layer Euclidean GCN; dropout is identity in eval mode
    h = gcn_conv(x, edge_index, W1, b1)
    h = jax.nn.relu(h)
    out = gcn_conv(h, edge_index, W2, b2)
    return out

if __name__ == "__main__":
    import jax
    _d = setup_inputs()
    print(jax.jit(kernel)(*tuple(_d.values())))

</pallas_src>

<mosaic_0001>
#map = affine_map<(d0, d1) -> (0, 0, 0, 0)>
#map1 = affine_map<(d0, d1) -> (0, 0, 0)>
module attributes {stable_mosaic.version = 14 : i64} {
  func.func @_deg_body(%arg0: i32, %arg1: i32, %arg2: memref<2x16x40x128xi32, #tpu.memory_space<hbm>>, %arg3: memref<2x10240x16xf32, #tpu.memory_space<hbm>>, %arg4: memref<10240x16xf32, #tpu.memory_space<vmem_shared>>, %arg5: memref<40x128xi32, #tpu.memory_space<vmem>>, %arg6: memref<128x16xf32, #tpu.memory_space<vmem>>, %arg7: memref<128x16xf32, #tpu.memory_space<vmem>>) attributes {dimension_semantics = [#tpu.dimension_semantics<core_parallel>, #tpu.dimension_semantics<subcore_parallel>], iteration_bounds = array<i64: 2, 16>, scalar_prefetch = 0 : i64, scratch_operands = 4 : i64, tpu.core_type = #tpu.core_type<sc_vector_subcore>, window_params = [{transform_indices = #map}, {transform_indices = #map1}]} {
    %mul3A = arith.constant 640 : i32
    %mul3A_0 = arith.muli %arg1, %mul3A : i32
    %iota3A = tpu.iota {dimensions = array<i32: 0>} : vector<16xi32>
    %eq3A = arith.constant 0 : i32
    %eq3A_1 = vector.broadcast %eq3A : i32 to vector<16xi32>
    %eq3A_2 = arith.cmpi eq, %iota3A, %eq3A_1 : vector<16xi32>
    %jit3A = arith.constant 1.000000e+00 : f32
    %jit3A_3 = arith.constant 0.000000e+00 : f32
    %broadcast_in_dim3A = vector.broadcast %jit3A : f32 to vector<16xf32>
    %broadcast_in_dim3A_4 = vector.broadcast %jit3A_3 : f32 to vector<16xf32>
    %select_n3A = arith.select %eq3A_2, %broadcast_in_dim3A, %broadcast_in_dim3A_4 : vector<16xi1>, vector<16xf32>
    %broadcast_in_dim3A_5 = arith.constant 0.000000e+00 : f32
    %broadcast_in_dim3A_6 = vector.broadcast %broadcast_in_dim3A_5 : f32 to vector<16xf32>
    %scan3A = arith.constant 0 : i32
    %scan3A_7 = arith.constant 0 : i32
    %scan3A_8 = arith.constant 128 : i32
    %scan3A_9 = arith.addi %scan3A_7, %scan3A_8 : i32
    %scan3A_10 = arith.constant 1 : i32
    %scan3A_11 = scf.for %scan3A_46 = %scan3A_7 to %scan3A_9 step %scan3A_10 iter_args(%scan3A_47 = %scan3A) -> (i32)  : i32 {
      %swap3A = arith.index_cast %scan3A_46 : i32 to index
      %swap3A_48 = arith.constant 0 : index
      %swap3A_49 = tpu.vector_load %arg6[%swap3A, %swap3A_48] {strides = array<i32>} : memref<128x16xf32, #tpu.memory_space<vmem>>, vector<1x16xf32>,
      %swap3A_50 = vector.shape_cast %swap3A_49 : vector<1x16xf32> to vector<16xf32>
      %swap3A_51 = vector.shape_cast %select_n3A : vector<16xf32> to vector<1x16xf32>
      tpu.vector_store %arg6[%swap3A, %swap3A_48], %swap3A_51 {strides = array<i32>} : memref<128x16xf32, #tpu.memory_space<vmem>>, vector<1x16xf32>,
      %swap3A_52 = arith.index_cast %scan3A_46 : i32 to index
      %swap3A_53 = arith.constant 0 : index
      %swap3A_54 = tpu.vector_load %arg7[%swap3A_52, %swap3A_53] {strides = array<i32>} : memref<128x16xf32, #tpu.memory_space<vmem>>, vector<1x16xf32>,
      %swap3A_55 = vector.shape_cast %swap3A_54 : vector<1x16xf32> to vector<16xf32>
      %swap3A_56 = vector.shape_cast %broadcast_in_dim3A_6 : vector<16xf32> to vector<1x16xf32>
      tpu.vector_store %arg7[%swap3A_52, %swap3A_53], %swap3A_56 {strides = array<i32>} : memref<128x16xf32, #tpu.memory_space<vmem>>, vector<1x16xf32>,
      %scan3A_57 = arith.constant 0 : i32
      scf.yield %scan3A_57 : i32
    }
    %scan3A_12 = arith.constant 128 : i32
    %scan3A_13 = arith.constant 0 : i32
    %scan3A_14 = arith.constant 0 : i32
    %scan3A_15 = arith.constant 5 : i32
    %scan3A_16 = arith.addi %scan3A_14, %scan3A_15 : i32
    %scan3A_17 = arith.constant 1 : i32
    %scan3A_18 = scf.for %scan3A_46 = %scan3A_14 to %scan3A_16 step %scan3A_17 iter_args(%scan3A_47 = %scan3A_13) -> (i32)  : i32 {
      %mul3A_48 = arith.constant 128 : i32
      %mul3A_49 = arith.muli %scan3A_46, %mul3A_48 : i32
      %add3A = arith.addi %mul3A_0, %mul3A_49 : i32
      "tpu.region"() ({
        %run_scoped3A = tpu.sem_alloc : memref<!tpu.dma_semaphore, #tpu.memory_space<semaphore_mem>>
        %dma_start3A = arith.constant 0 : i32
        %dma_start3A_51 = tpu.memref_slice %arg4[%add3A, %dma_start3A] : memref<10240x16xf32, #tpu.memory_space<vmem_shared>> -> memref<128x16xf32, #tpu.memory_space<vmem_shared>>
        %dma_start3A_52 = arith.constant 0 : i32
        %dma_start3A_53 = tpu.memref_slice %arg4[%add3A, %dma_start3A_52] : memref<10240x16xf32, #tpu.memory_space<vmem_shared>> -> memref<128x16xf32, #tpu.memory_space<vmem_shared>>
        tpu.enqueue_dma source(%arg7 : memref<128x16xf32, #tpu.memory_space<vmem>>) target(%dma_start3A_53 : memref<128x16xf32, #tpu.memory_space<vmem_shared>>) target_semaphore(%run_scoped3A : memref<!tpu.dma_semaphore, #tpu.memory_space<semaphore_mem>>)
        %dma_wait3A = arith.constant 0 : i32
        %dma_wait3A_54 = tpu.memref_slice %arg4[%add3A, %dma_wait3A] : memref<10240x16xf32, #tpu.memory_space<vmem_shared>> -> memref<128x16xf32, #tpu.memory_space<vmem_shared>>
        %dma_wait3A_55 = arith.constant 0 : i32
        %dma_wait3A_56 = tpu.memref_slice %arg4[%add3A, %dma_wait3A_55] : memref<10240x16xf32, #tpu.memory_space<vmem_shared>> -> memref<128x16xf32, #tpu.memory_space<vmem_shared>>
        tpu.wait_dma2 semaphore(%run_scoped3A : memref<!tpu.dma_semaphore, #tpu.memory_space<semaphore_mem>>) src(%arg7 : memref<128x16xf32, #tpu.memory_space<vmem>>) dst(%dma_wait3A_56 : memref<128x16xf32, #tpu.memory_space<vmem_shared>>)
        tpu.yield
      }) : () -> ()
      %scan3A_50 = arith.constant 0 : i32
      scf.yield %scan3A_50 : i32
    }
    %scan3A_19 = arith.constant 5 : i32
    %eq3A_20 = arith.constant 0 : i32
    %eq3A_21 = arith.cmpi eq, %arg0, %eq3A_20 : i32
    %convert_element_type3A = arith.extui %eq3A_21 : i1 to i32
    %cond3A = arith.constant 0 : i32
    %cond3A_22 = arith.cmpi ne, %convert_element_type3A, %cond3A : i32
    scf.if %cond3A_22 {
      %run_scoped3A = arith.constant 0 : i32
      "tpu.region"() ({
        %run_scoped3A_46 = tpu.sem_alloc : memref<!tpu.dma_semaphore, #tpu.memory_space<semaphore_mem>>
        %dma_start3A = arith.constant 0 : i32
        %dma_start3A_47 = arith.constant 0 : i32
        %dma_start3A_48 = tpu.memref_slice %arg2[%run_scoped3A, %arg1, %dma_start3A, %dma_start3A_47] : memref<2x16x40x128xi32, #tpu.memory_space<hbm>> -> memref<1x1x40x128xi32, #tpu.memory_space<hbm>>
        %dma_start3A_49 = tpu.memref_squeeze %dma_start3A_48 : memref<1x1x40x128xi32, #tpu.memory_space<hbm>> -> memref<40x128xi32, #tpu.memory_space<hbm>>
        %dma_start3A_50 = arith.constant 0 : i32
        %dma_start3A_51 = arith.constant 0 : i32
        %dma_start3A_52 = tpu.memref_slice %arg2[%run_scoped3A, %arg1, %dma_start3A_50, %dma_start3A_51] : memref<2x16x40x128xi32, #tpu.memory_space<hbm>> -> memref<1x1x40x128xi32, #tpu.memory_space<hbm>>
        %dma_start3A_53 = tpu.memref_squeeze %dma_start3A_52 : memref<1x1x40x128xi32, #tpu.memory_space<hbm>> -> memref<40x128xi32, #tpu.memory_space<hbm>>
        tpu.enqueue_dma source(%dma_start3A_53 : memref<40x128xi32, #tpu.memory_space<hbm>>) target(%arg5 : memref<40x128xi32, #tpu.memory_space<vmem>>) target_semaphore(%run_scoped3A_46 : memref<!tpu.dma_semaphore, #tpu.memory_space<semaphore_mem>>)
        %dma_wait3A = arith.constant 0 : i32
        %dma_wait3A_54 = arith.constant 0 : i32
        %dma_wait3A_55 = tpu.memref_slice %arg2[%run_scoped3A, %arg1, %dma_wait3A, %dma_wait3A_54] : memref<2x16x40x128xi32, #tpu.memory_space<hbm>> -> memref<1x1x40x128xi32, #tpu.memory_space<hbm>>
        %dma_wait3A_56 = tpu.memref_squeeze %dma_wait3A_55 : memref<1x1x40x128xi32, #tpu.memory_space<hbm>> -> memref<40x128xi32, #tpu.memory_space<hbm>>
        %dma_wait3A_57 = arith.constant 0 : i32
        %dma_wait3A_58 = arith.constant 0 : i32
        %dma_wait3A_59 = tpu.memref_slice %arg2[%run_scoped3A, %arg1, %dma_wait3A_57, %dma_wait3A_58] : memref<2x16x40x128xi32, #tpu.memory_space<hbm>> -> memref<1x1x40x128xi32, #tpu.memory_space<hbm>>
        %dma_wait3A_60 = tpu.memref_squeeze %dma_wait3A_59 : memref<1x1x40x128xi32, #tpu.memory_space<hbm>> -> memref<40x128xi32, #tpu.memory_space<hbm>>
        tpu.wait_dma2 semaphore(%run_scoped3A_46 : memref<!tpu.dma_semaphore, #tpu.memory_space<semaphore_mem>>) src(%dma_wait3A_60 : memref<40x128xi32, #tpu.memory_space<hbm>>) dst(%arg5 : memref<40x128xi32, #tpu.memory_space<vmem>>)
        tpu.yield
      }) : () -> ()
    } else {
    }
    %eq3A_23 = arith.constant 1 : i32
    %eq3A_24 = arith.cmpi eq, %arg0, %eq3A_23 : i32
    %convert_element_type3A_25 = arith.extui %eq3A_24 : i1 to i32
    %cond3A_26 = arith.constant 0 : i32
    %cond3A_27 = arith.cmpi ne, %convert_element_type3A_25, %cond3A_26 : i32
    scf.if %cond3A_27 {
      %run_scoped3A = arith.constant 1 : i32
      "tpu.region"() ({
        %run_scoped3A_46 = tpu.sem_alloc : memref<!tpu.dma_semaphore, #tpu.memory_space<semaphore_mem>>
        %dma_start3A = arith.constant 0 : i32
        %dma_start3A_47 = arith.constant 0 : i32
        %dma_start3A_48 = tpu.memref_slice %arg2[%run_scoped3A, %arg1, %dma_start3A, %dma_start3A_47] : memref<2x16x40x128xi32, #tpu.memory_space<hbm>> -> memref<1x1x40x128xi32, #tpu.memory_space<hbm>>
        %dma_start3A_49 = tpu.memref_squeeze %dma_start3A_48 : memref<1x1x40x128xi32, #tpu.memory_space<hbm>> -> memref<40x128xi32, #tpu.memory_space<hbm>>
        %dma_start3A_50 = arith.constant 0 : i32
        %dma_start3A_51 = arith.constant 0 : i32
        %dma_start3A_52 = tpu.memref_slice %arg2[%run_scoped3A, %arg1, %dma_start3A_50, %dma_start3A_51] : memref<2x16x40x128xi32, #tpu.memory_space<hbm>> -> memref<1x1x40x128xi32, #tpu.memory_space<hbm>>
        %dma_start3A_53 = tpu.memref_squeeze %dma_start3A_52 : memref<1x1x40x128xi32, #tpu.memory_space<hbm>> -> memref<40x128xi32, #tpu.memory_space<hbm>>
        tpu.enqueue_dma source(%dma_start3A_53 : memref<40x128xi32, #tpu.memory_space<hbm>>) target(%arg5 : memref<40x128xi32, #tpu.memory_space<vmem>>) target_semaphore(%run_scoped3A_46 : memref<!tpu.dma_semaphore, #tpu.memory_space<semaphore_mem>>)
        %dma_wait3A = arith.constant 0 : i32
        %dma_wait3A_54 = arith.constant 0 : i32
        %dma_wait3A_55 = tpu.memref_slice %arg2[%run_scoped3A, %arg1, %dma_wait3A, %dma_wait3A_54] : memref<2x16x40x128xi32, #tpu.memory_space<hbm>> -> memref<1x1x40x128xi32, #tpu.memory_space<hbm>>
        %dma_wait3A_56 = tpu.memref_squeeze %dma_wait3A_55 : memref<1x1x40x128xi32, #tpu.memory_space<hbm>> -> memref<40x128xi32, #tpu.memory_space<hbm>>
        %dma_wait3A_57 = arith.constant 0 : i32
        %dma_wait3A_58 = arith.constant 0 : i32
        %dma_wait3A_59 = tpu.memref_slice %arg2[%run_scoped3A, %arg1, %dma_wait3A_57, %dma_wait3A_58] : memref<2x16x40x128xi32, #tpu.memory_space<hbm>> -> memref<1x1x40x128xi32, #tpu.memory_space<hbm>>
        %dma_wait3A_60 = tpu.memref_squeeze %dma_wait3A_59 : memref<1x1x40x128xi32, #tpu.memory_space<hbm>> -> memref<40x128xi32, #tpu.memory_space<hbm>>
        tpu.wait_dma2 semaphore(%run_scoped3A_46 : memref<!tpu.dma_semaphore, #tpu.memory_space<semaphore_mem>>) src(%dma_wait3A_60 : memref<40x128xi32, #tpu.memory_space<hbm>>) dst(%arg5 : memref<40x128xi32, #tpu.memory_space<vmem>>)
        tpu.yield
      }) : () -> ()
    } else {
    }
    %barrier3A = arith.constant 0 : index
    tpu.barrier barrier_id(%barrier3A)
    %scan3A_28 = arith.constant 0 : i32
    %scan3A_29 = arith.constant 0 : i32
    %scan3A_30 = arith.constant 40 : i32
    %scan3A_31 = arith.addi %scan3A_29, %scan3A_30 : i32
    %scan3A_32 = arith.constant 1 : i32
    %scan3A_33 = scf.for %scan3A_46 = %scan3A_29 to %scan3A_31 step %scan3A_32 iter_args(%scan3A_47 = %scan3A_28) -> (i32)  : i32 {
      "tpu.region"() ({
        %run_scoped3A = tpu.sem_alloc : memref<!tpu.dma_semaphore, #tpu.memory_space<semaphore_mem>>
        %dma_start3A = arith.constant 0 : i32
        %dma_start3A_49 = tpu.memref_slice %arg5[%scan3A_46, %dma_start3A] : memref<40x128xi32, #tpu.memory_space<vmem>> -> memref<1x128xi32, #tpu.memory_space<vmem>>
        %dma_start3A_50 = tpu.memref_squeeze %dma_start3A_49 : memref<1x128xi32, #tpu.memory_space<vmem>> -> memref<128xi32, #tpu.memory_space<vmem>>
        %dma_start3A_51 = arith.constant 0 : i32
        %dma_start3A_52 = arith.constant 0 : i32
        %dma_start3A_53 = tpu.memref_slice %arg4[%dma_start3A_51, %dma_start3A_52] : memref<10240x16xf32, #tpu.memory_space<vmem_shared>> -> memref<10240x16xf32, #tpu.memory_space<vmem_shared>>
        tpu.enqueue_indirect_dma source(%arg6 : memref<128x16xf32, #tpu.memory_space<vmem>>) target(%dma_start3A_53 : memref<10240x16xf32, #tpu.memory_space<vmem_shared>>) offsets(%dma_start3A_50 : memref<128xi32, #tpu.memory_space<vmem>>) semaphore(%run_scoped3A : memref<!tpu.dma_semaphore, #tpu.memory_space<semaphore_mem>>) {add = true}
        %dma_wait3A = arith.constant 0 : i32
        %dma_wait3A_54 = tpu.memref_slice %arg5[%scan3A_46, %dma_wait3A] : memref<40x128xi32, #tpu.memory_space<vmem>> -> memref<1x128xi32, #tpu.memory_space<vmem>>
        %dma_wait3A_55 = tpu.memref_squeeze %dma_wait3A_54 : memref<1x128xi32, #tpu.memory_space<vmem>> -> memref<128xi32, #tpu.memory_space<vmem>>
        %dma_wait3A_56 = arith.constant 0 : i32
        %dma_wait3A_57 = arith.constant 0 : i32
        %dma_wait3A_58 = tpu.memref_slice %arg4[%dma_wait3A_56, %dma_wait3A_57] : memref<10240x16xf32, #tpu.memory_space<vmem_shared>> -> memref<10240x16xf32, #tpu.memory_space<vmem_shared>>
        tpu.wait_indirect_dma semaphore(%run_scoped3A : memref<!tpu.dma_semaphore, #tpu.memory_space<semaphore_mem>>) src(%arg6 : memref<128x16xf32, #tpu.memory_space<vmem>>) dst(%dma_wait3A_58 : memref<10240x16xf32, #tpu.memory_space<vmem_shared>>)
        tpu.yield
      }) : () -> ()
      %scan3A_48 = arith.constant 0 : i32
      scf.yield %scan3A_48 : i32
    }
    %scan3A_34 = arith.constant 40 : i32
    %barrier3A_35 = arith.constant 0 : index
    tpu.barrier barrier_id(%barrier3A_35)
    %eq3A_36 = arith.constant 0 : i32
    %eq3A_37 = arith.cmpi eq, %arg0, %eq3A_36 : i32
    %convert_element_type3A_38 = arith.extui %eq3A_37 : i1 to i32
    %cond3A_39 = arith.constant 0 : i32
    %cond3A_40 = arith.cmpi ne, %convert_element_type3A_38, %cond3A_39 : i32
    scf.if %cond3A_40 {
      %run_scoped3A = arith.constant 0 : i32
      "tpu.region"() ({
        %run_scoped3A_46 = tpu.sem_alloc : memref<!tpu.dma_semaphore, #tpu.memory_space<semaphore_mem>>
        %dma_start3A = arith.constant 0 : i32
        %dma_start3A_47 = tpu.memref_slice %arg3[%run_scoped3A, %mul3A_0, %dma_start3A] : memref<2x10240x16xf32, #tpu.memory_space<hbm>> -> memref<1x640x16xf32, #tpu.memory_space<hbm>>
        %dma_start3A_48 = tpu.memref_squeeze %dma_start3A_47 : memref<1x640x16xf32, #tpu.memory_space<hbm>> -> memref<640x16xf32, #tpu.memory_space<hbm>>
        %dma_start3A_49 = arith.constant 0 : i32
        %dma_start3A_50 = tpu.memref_slice %arg4[%mul3A_0, %dma_start3A_49] : memref<10240x16xf32, #tpu.memory_space<vmem_shared>> -> memref<640x16xf32, #tpu.memory_space<vmem_shared>>
        tpu.enqueue_dma source(%dma_start3A_50 : memref<640x16xf32, #tpu.memory_space<vmem_shared>>) target(%dma_start3A_48 : memref<640x16xf32, #tpu.memory_space<hbm>>) target_semaphore(%run_scoped3A_46 : memref<!tpu.dma_semaphore, #tpu.memory_space<semaphore_mem>>)
        %dma_wait3A = arith.constant 0 : i32
        %dma_wait3A_51 = tpu.memref_slice %arg3[%run_scoped3A, %mul3A_0, %dma_wait3A] : memref<2x10240x16xf32, #tpu.memory_space<hbm>> -> memref<1x640x16xf32, #tpu.memory_space<hbm>>
        %dma_wait3A_52 = tpu.memref_squeeze %dma_wait3A_51 : memref<1x640x16xf32, #tpu.memory_space<hbm>> -> memref<640x16xf32, #tpu.memory_space<hbm>>
        %dma_wait3A_53 = arith.constant 0 : i32
        %dma_wait3A_54 = tpu.memref_slice %arg4[%mul3A_0, %dma_wait3A_53] : memref<10240x16xf32, #tpu.memory_space<vmem_shared>> -> memref<640x16xf32, #tpu.memory_space<vmem_shared>>
        tpu.wait_dma2 semaphore(%run_scoped3A_46 : memref<!tpu.dma_semaphore, #tpu.memory_space<semaphore_mem>>) src(%dma_wait3A_54 : memref<640x16xf32, #tpu.memory_space<vmem_shared>>) dst(%dma_wait3A_52 : memref<640x16xf32, #tpu.memory_space<hbm>>)
        tpu.yield
      }) : () -> ()
    } else {
    }
    %eq3A_41 = arith.constant 1 : i32
    %eq3A_42 = arith.cmpi eq, %arg0, %eq3A_41 : i32
    %convert_element_type3A_43 = arith.extui %eq3A_42 : i1 to i32
    %cond3A_44 = arith.constant 0 : i32
    %cond3A_45 = arith.cmpi ne, %convert_element_type3A_43, %cond3A_44 : i32
    scf.if %cond3A_45 {
      %run_scoped3A = arith.constant 1 : i32
      "tpu.region"() ({
        %run_scoped3A_46 = tpu.sem_alloc : memref<!tpu.dma_semaphore, #tpu.memory_space<semaphore_mem>>
        %dma_start3A = arith.constant 0 : i32
        %dma_start3A_47 = tpu.memref_slice %arg3[%run_scoped3A, %mul3A_0, %dma_start3A] : memref<2x10240x16xf32, #tpu.memory_space<hbm>> -> memref<1x640x16xf32, #tpu.memory_space<hbm>>
        %dma_start3A_48 = tpu.memref_squeeze %dma_start3A_47 : memref<1x640x16xf32, #tpu.memory_space<hbm>> -> memref<640x16xf32, #tpu.memory_space<hbm>>
        %dma_start3A_49 = arith.constant 0 : i32
        %dma_start3A_50 = tpu.memref_slice %arg4[%mul3A_0, %dma_start3A_49] : memref<10240x16xf32, #tpu.memory_space<vmem_shared>> -> memref<640x16xf32, #tpu.memory_space<vmem_shared>>
        tpu.enqueue_dma source(%dma_start3A_50 : memref<640x16xf32, #tpu.memory_space<vmem_shared>>) target(%dma_start3A_48 : memref<640x16xf32, #tpu.memory_space<hbm>>) target_semaphore(%run_scoped3A_46 : memref<!tpu.dma_semaphore, #tpu.memory_space<semaphore_mem>>)
        %dma_wait3A = arith.constant 0 : i32
        %dma_wait3A_51 = tpu.memref_slice %arg3[%run_scoped3A, %mul3A_0, %dma_wait3A] : memref<2x10240x16xf32, #tpu.memory_space<hbm>> -> memref<1x640x16xf32, #tpu.memory_space<hbm>>
        %dma_wait3A_52 = tpu.memref_squeeze %dma_wait3A_51 : memref<1x640x16xf32, #tpu.memory_space<hbm>> -> memref<640x16xf32, #tpu.memory_space<hbm>>
        %dma_wait3A_53 = arith.constant 0 : i32
        %dma_wait3A_54 = tpu.memref_slice %arg4[%mul3A_0, %dma_wait3A_53] : memref<10240x16xf32, #tpu.memory_space<vmem_shared>> -> memref<640x16xf32, #tpu.memory_space<vmem_shared>>
        tpu.wait_dma2 semaphore(%run_scoped3A_46 : memref<!tpu.dma_semaphore, #tpu.memory_space<semaphore_mem>>) src(%dma_wait3A_54 : memref<640x16xf32, #tpu.memory_space<vmem_shared>>) dst(%dma_wait3A_52 : memref<640x16xf32, #tpu.memory_space<hbm>>)
        tpu.yield
      }) : () -> ()
    } else {
    }
    return
  }
}

#map = affine_map<(d0, d1) -> (0, 0)>
#map1 = affine_map<(d0, d1) -> (0, 0, 0, 0)>
#map2 = affine_map<(d0, d1) -> (0, 0, 0)>
module attributes {stable_mosaic.version = 14 : i64} {
  func.func @_agg_body(%arg0: i32, %arg1: i32, %arg2: memref<20480x128xf32, #tpu.memory_space<hbm>>, %arg3: memref<2x16x80x128xi32, #tpu.memory_space<hbm>>, %arg4: memref<16x80x128xi32, #tpu.memory_space<hbm>>, %arg5: memref<2x10240x128xf32, #tpu.memory_space<hbm>>, %arg6: memref<10240x128xf32, #tpu.memory_space<vmem_shared>>, %arg7: memref<16x128xi32, #tpu.memory_space<vmem>>, %arg8: memref<80x128xi32, #tpu.memory_space<vmem>>, %arg9: memref<2x128x128xf32, #tpu.memory_space<vmem>>, %arg10: memref<!tpu.dma_semaphore, #tpu.memory_space<semaphore_mem>>) attributes {dimension_semantics = [#tpu.dimension_semantics<core_parallel>, #tpu.dimension_semantics<subcore_parallel>], iteration_bounds = array<i64: 2, 16>, scalar_prefetch = 0 : i64, scratch_operands = 5 : i64, tpu.core_type = #tpu.core_type<sc_vector_subcore>, window_params = [{transform_indices = #map}, {transform_indices = #map1}, {transform_indices = #map2}, {transform_indices = #map2}]} {
    %mul3A = arith.constant 640 : i32
    %mul3A_0 = arith.muli %arg1, %mul3A : i32
    "tpu.region"() ({
      %run_scoped3A = tpu.sem_alloc : memref<!tpu.dma_semaphore, #tpu.memory_space<semaphore_mem>>
      %dma_start3A = arith.constant 0 : i32
      %dma_start3A_10 = arith.constant 0 : i32
      %dma_start3A_11 = tpu.memref_slice %arg4[%arg1, %dma_start3A, %dma_start3A_10] : memref<16x80x128xi32, #tpu.memory_space<hbm>> -> memref<1x80x128xi32, #tpu.memory_space<hbm>>
      %dma_start3A_12 = tpu.memref_squeeze %dma_start3A_11 : memref<1x80x128xi32, #tpu.memory_space<hbm>> -> memref<80x128xi32, #tpu.memory_space<hbm>>
      %dma_start3A_13 = arith.constant 0 : i32
      %dma_start3A_14 = arith.constant 0 : i32
      %dma_start3A_15 = tpu.memref_slice %arg4[%arg1, %dma_start3A_13, %dma_start3A_14] : memref<16x80x128xi32, #tpu.memory_space<hbm>> -> memref<1x80x128xi32, #tpu.memory_space<hbm>>
      %dma_start3A_16 = tpu.memref_squeeze %dma_start3A_15 : memref<1x80x128xi32, #tpu.memory_space<hbm>> -> memref<80x128xi32, #tpu.memory_space<hbm>>
      tpu.enqueue_dma source(%dma_start3A_16 : memref<80x128xi32, #tpu.memory_space<hbm>>) target(%arg8 : memref<80x128xi32, #tpu.memory_space<vmem>>) target_semaphore(%run_scoped3A : memref<!tpu.dma_semaphore, #tpu.memory_space<semaphore_mem>>)
      %dma_wait3A = arith.constant 0 : i32
      %dma_wait3A_17 = arith.constant 0 : i32
      %dma_wait3A_18 = tpu.memref_slice %arg4[%arg1, %dma_wait3A, %dma_wait3A_17] : memref<16x80x128xi32, #tpu.memory_space<hbm>> -> memref<1x80x128xi32, #tpu.memory_space<hbm>>
      %dma_wait3A_19 = tpu.memref_squeeze %dma_wait3A_18 : memref<1x80x128xi32, #tpu.memory_space<hbm>> -> memref<80x128xi32, #tpu.memory_space<hbm>>
      %dma_wait3A_20 = arith.constant 0 : i32
      %dma_wait3A_21 = arith.constant 0 : i32
      %dma_wait3A_22 = tpu.memref_slice %arg4[%arg1, %dma_wait3A_20, %dma_wait3A_21] : memref<16x80x128xi32, #tpu.memory_space<hbm>> -> memref<1x80x128xi32, #tpu.memory_space<hbm>>
      %dma_wait3A_23 = tpu.memref_squeeze %dma_wait3A_22 : memref<1x80x128xi32, #tpu.memory_space<hbm>> -> memref<80x128xi32, #tpu.memory_space<hbm>>
      tpu.wait_dma2 semaphore(%run_scoped3A : memref<!tpu.dma_semaphore, #tpu.memory_space<semaphore_mem>>) src(%dma_wait3A_23 : memref<80x128xi32, #tpu.memory_space<hbm>>) dst(%arg8 : memref<80x128xi32, #tpu.memory_space<vmem>>)
      tpu.yield
    }) : () -> ()
    %mul3A_1 = arith.constant 10240 : i32
    %mul3A_2 = arith.muli %arg0, %mul3A_1 : i32
    %add3A = arith.addi %mul3A_2, %mul3A_0 : i32
    "tpu.region"() ({
      %run_scoped3A = tpu.sem_alloc : memref<!tpu.dma_semaphore, #tpu.memory_space<semaphore_mem>>
      %dma_start3A = arith.constant 0 : i32
      %dma_start3A_10 = tpu.memref_slice %arg6[%mul3A_0, %dma_start3A] : memref<10240x128xf32, #tpu.memory_space<vmem_shared>> -> memref<640x128xf32, #tpu.memory_space<vmem_shared>>
      %dma_start3A_11 = arith.constant 0 : i32
      %dma_start3A_12 = tpu.memref_slice %arg2[%add3A, %dma_start3A_11] : memref<20480x128xf32, #tpu.memory_space<hbm>> -> memref<640x128xf32, #tpu.memory_space<hbm>>
      tpu.enqueue_dma source(%dma_start3A_12 : memref<640x128xf32, #tpu.memory_space<hbm>>) target(%dma_start3A_10 : memref<640x128xf32, #tpu.memory_space<vmem_shared>>) target_semaphore(%run_scoped3A : memref<!tpu.dma_semaphore, #tpu.memory_space<semaphore_mem>>)
      %dma_wait3A = arith.constant 0 : i32
      %dma_wait3A_13 = tpu.memref_slice %arg6[%mul3A_0, %dma_wait3A] : memref<10240x128xf32, #tpu.memory_space<vmem_shared>> -> memref<640x128xf32, #tpu.memory_space<vmem_shared>>
      %dma_wait3A_14 = arith.constant 0 : i32
      %dma_wait3A_15 = tpu.memref_slice %arg2[%add3A, %dma_wait3A_14] : memref<20480x128xf32, #tpu.memory_space<hbm>> -> memref<640x128xf32, #tpu.memory_space<hbm>>
      tpu.wait_dma2 semaphore(%run_scoped3A : memref<!tpu.dma_semaphore, #tpu.memory_space<semaphore_mem>>) src(%dma_wait3A_15 : memref<640x128xf32, #tpu.memory_space<hbm>>) dst(%dma_wait3A_13 : memref<640x128xf32, #tpu.memory_space<vmem_shared>>)
      tpu.yield
    }) : () -> ()
    %barrier3A = arith.constant 0 : index
    tpu.barrier barrier_id(%barrier3A)
    %scan3A = arith.constant 0 : i32
    %scan3A_3 = arith.constant 0 : i32
    %scan3A_4 = arith.constant 40 : i32
    %scan3A_5 = arith.addi %scan3A_3, %scan3A_4 : i32
    %scan3A_6 = arith.constant 1 : i32
    %scan3A_7 = scf.for %scan3A_10 = %scan3A_3 to %scan3A_5 step %scan3A_6 iter_args(%scan3A_11 = %scan3A) -> (i32)  : i32 {
      %jit3A = arith.constant 8 : i32
      %div3A = arith.divsi %scan3A_10, %jit3A : i32
      %sign3A = arith.constant 0 : i32
      %sign3A_12 = arith.cmpi sgt, %scan3A_10, %sign3A : i32
      %sign3A_13 = arith.extui %sign3A_12 : i1 to i32
      %sign3A_14 = arith.constant 0 : i32
      %sign3A_15 = arith.cmpi slt, %scan3A_10, %sign3A_14 : i32
      %sign3A_16 = arith.extui %sign3A_15 : i1 to i32
      %sign3A_17 = arith.subi %sign3A_13, %sign3A_16 : i32
      %sign3A_18 = arith.constant 0 : i32
      %sign3A_19 = arith.cmpi sgt, %jit3A, %sign3A_18 : i32
      %sign3A_20 = arith.extui %sign3A_19 : i1 to i32
      %sign3A_21 = arith.constant 0 : i32
      %sign3A_22 = arith.cmpi slt, %jit3A, %sign3A_21 : i32
      %sign3A_23 = arith.extui %sign3A_22 : i1 to i32
      %sign3A_24 = arith.subi %sign3A_20, %sign3A_23 : i32
      %ne3A = arith.cmpi ne, %sign3A_17, %sign3A_24 : i32
      %rem3A = arith.remsi %scan3A_10, %jit3A : i32
      %ne3A_25 = arith.constant 0 : i32
      %ne3A_26 = arith.cmpi ne, %rem3A, %ne3A_25 : i32
      %and3A = arith.andi %ne3A, %ne3A_26 : i1
      %sub3A = arith.constant 1 : i32
      %sub3A_27 = arith.subi %div3A, %sub3A : i32
      %select_n3A = arith.select %and3A, %sub3A_27, %div3A : i32
      %mul3A_28 = arith.constant 2 : i32
      %mul3A_29 = arith.muli %mul3A_28, %scan3A_10 : i32
      %mul3A_30 = arith.constant 16 : i32
      %mul3A_31 = arith.muli %mul3A_30, %select_n3A : i32
      %sub3A_32 = arith.subi %mul3A_29, %mul3A_31 : i32
      %eq3A = arith.constant 0 : i32
      %eq3A_33 = arith.cmpi eq, %sub3A_32, %eq3A : i32
      %convert_element_type3A = arith.extui %eq3A_33 : i1 to i32
      %cond3A = arith.constant 0 : i32
      %cond3A_34 = arith.cmpi ne, %convert_element_type3A, %cond3A : i32
      scf.if %cond3A_34 {
        %mul3A_87 = arith.constant 16 : i32
        %mul3A_88 = arith.muli %select_n3A, %mul3A_87 : i32
        "tpu.region"() ({
          %run_scoped3A_89 = tpu.sem_alloc : memref<!tpu.dma_semaphore, #tpu.memory_space<semaphore_mem>>
          %dma_start3A_90 = arith.constant 0 : i32
          %dma_start3A_91 = tpu.memref_slice %arg3[%arg0, %arg1, %mul3A_88, %dma_start3A_90] : memref<2x16x80x128xi32, #tpu.memory_space<hbm>> -> memref<1x1x16x128xi32, #tpu.memory_space<hbm>>
          %dma_start3A_92 = tpu.memref_squeeze %dma_start3A_91 : memref<1x1x16x128xi32, #tpu.memory_space<hbm>> -> memref<16x128xi32, #tpu.memory_space<hbm>>
          %dma_start3A_93 = arith.constant 0 : i32
          %dma_start3A_94 = tpu.memref_slice %arg3[%arg0, %arg1, %mul3A_88, %dma_start3A_93] : memref<2x16x80x128xi32, #tpu.memory_space<hbm>> -> memref<1x1x16x128xi32, #tpu.memory_space<hbm>>
          %dma_start3A_95 = tpu.memref_squeeze %dma_start3A_94 : memref<1x1x16x128xi32, #tpu.memory_space<hbm>> -> memref<16x128xi32, #tpu.memory_space<hbm>>
          tpu.enqueue_dma source(%dma_start3A_95 : memref<16x128xi32, #tpu.memory_space<hbm>>) target(%arg7 : memref<16x128xi32, #tpu.memory_space<vmem>>) target_semaphore(%run_scoped3A_89 : memref<!tpu.dma_semaphore, #tpu.memory_space<semaphore_mem>>)
          %dma_wait3A_96 = arith.constant 0 : i32
          %dma_wait3A_97 = tpu.memref_slice %arg3[%arg0, %arg1, %mul3A_88, %dma_wait3A_96] : memref<2x16x80x128xi32, #tpu.memory_space<hbm>> -> memref<1x1x16x128xi32, #tpu.memory_space<hbm>>
          %dma_wait3A_98 = tpu.memref_squeeze %dma_wait3A_97 : memref<1x1x16x128xi32, #tpu.memory_space<hbm>> -> memref<16x128xi32, #tpu.memory_space<hbm>>
          %dma_wait3A_99 = arith.constant 0 : i32
          %dma_wait3A_100 = tpu.memref_slice %arg3[%arg0, %arg1, %mul3A_88, %dma_wait3A_99] : memref<2x16x80x128xi32, #tpu.memory_space<hbm>> -> memref<1x1x16x128xi32, #tpu.memory_space<hbm>>
          %dma_wait3A_101 = tpu.memref_squeeze %dma_wait3A_100 : memref<1x1x16x128xi32, #tpu.memory_space<hbm>> -> memref<16x128xi32, #tpu.memory_space<hbm>>
          tpu.wait_dma2 semaphore(%run_scoped3A_89 : memref<!tpu.dma_semaphore, #tpu.memory_space<semaphore_mem>>) src(%dma_wait3A_101 : memref<16x128xi32, #tpu.memory_space<hbm>>) dst(%arg7 : memref<16x128xi32, #tpu.memory_space<vmem>>)
          tpu.yield
        }) : () -> ()
      } else {
      }
      %dma_start3A = arith.constant 0 : i32
      %dma_start3A_35 = arith.constant 0 : i32
      %dma_start3A_36 = arith.constant 0 : i32
      %dma_start3A_37 = tpu.memref_slice %arg9[%dma_start3A, %dma_start3A_35, %dma_start3A_36] : memref<2x128x128xf32, #tpu.memory_space<vmem>> -> memref<1x128x128xf32, #tpu.memory_space<vmem>>
      %dma_start3A_38 = tpu.memref_squeeze %dma_start3A_37 : memref<1x128x128xf32, #tpu.memory_space<vmem>> -> memref<128x128xf32, #tpu.memory_space<vmem>>
      %dma_start3A_39 = arith.constant 0 : i32
      %dma_start3A_40 = tpu.memref_slice %arg7[%sub3A_32, %dma_start3A_39] : memref<16x128xi32, #tpu.memory_space<vmem>> -> memref<1x128xi32, #tpu.memory_space<vmem>>
      %dma_start3A_41 = tpu.memref_squeeze %dma_start3A_40 : memref<1x128xi32, #tpu.memory_space<vmem>> -> memref<128xi32, #tpu.memory_space<vmem>>
      %dma_start3A_42 = arith.constant 0 : i32
      %dma_start3A_43 = arith.constant 0 : i32
      %dma_start3A_44 = tpu.memref_slice %arg2[%dma_start3A_42, %dma_start3A_43] : memref<20480x128xf32, #tpu.memory_space<hbm>> -> memref<20480x128xf32, #tpu.memory_space<hbm>>
      tpu.enqueue_indirect_dma source(%dma_start3A_44 : memref<20480x128xf32, #tpu.memory_space<hbm>>) target(%dma_start3A_38 : memref<128x128xf32, #tpu.memory_space<vmem>>) offsets(%dma_start3A_41 : memref<128xi32, #tpu.memory_space<vmem>>) semaphore(%arg10 : memref<!tpu.dma_semaphore, #tpu.memory_space<semaphore_mem>>)
      %add3A_45 = arith.constant 1 : i32
      %add3A_46 = arith.addi %sub3A_32, %add3A_45 : i32
      %dma_start3A_47 = arith.constant 1 : i32
      %dma_start3A_48 = arith.constant 0 : i32
      %dma_start3A_49 = arith.constant 0 : i32
      %dma_start3A_50 = tpu.memref_slice %arg9[%dma_start3A_47, %dma_start3A_48, %dma_start3A_49] : memref<2x128x128xf32, #tpu.memory_space<vmem>> -> memref<1x128x128xf32, #tpu.memory_space<vmem>>
      %dma_start3A_51 = tpu.memref_squeeze %dma_start3A_50 : memref<1x128x128xf32, #tpu.memory_space<vmem>> -> memref<128x128xf32, #tpu.memory_space<vmem>>
      %dma_start3A_52 = arith.constant 0 : i32
      %dma_start3A_53 = tpu.memref_slice %arg7[%add3A_46, %dma_start3A_52] : memref<16x128xi32, #tpu.memory_space<vmem>> -> memref<1x128xi32, #tpu.memory_space<vmem>>
      %dma_start3A_54 = tpu.memref_squeeze %dma_start3A_53 : memref<1x128xi32, #tpu.memory_space<vmem>> -> memref<128xi32, #tpu.memory_space<vmem>>
      %dma_start3A_55 = arith.constant 0 : i32
      %dma_start3A_56 = arith.constant 0 : i32
      %dma_start3A_57 = tpu.memref_slice %arg2[%dma_start3A_55, %dma_start3A_56] : memref<20480x128xf32, #tpu.memory_space<hbm>> -> memref<20480x128xf32, #tpu.memory_space<hbm>>
      tpu.enqueue_indirect_dma source(%dma_start3A_57 : memref<20480x128xf32, #tpu.memory_space<hbm>>) target(%dma_start3A_51 : memref<128x128xf32, #tpu.memory_space<vmem>>) offsets(%dma_start3A_54 : memref<128xi32, #tpu.memory_space<vmem>>) semaphore(%arg10 : memref<!tpu.dma_semaphore, #tpu.memory_space<semaphore_mem>>)
      %dma_wait3A = arith.constant 0 : i32
      %dma_wait3A_58 = arith.constant 0 : i32
      %dma_wait3A_59 = arith.constant 0 : i32
      %dma_wait3A_60 = tpu.memref_slice %arg9[%dma_wait3A, %dma_wait3A_58, %dma_wait3A_59] : memref<2x128x128xf32, #tpu.memory_space<vmem>> -> memref<1x128x128xf32, #tpu.memory_space<vmem>>
      %dma_wait3A_61 = tpu.memref_squeeze %dma_wait3A_60 : memref<1x128x128xf32, #tpu.memory_space<vmem>> -> memref<128x128xf32, #tpu.memory_space<vmem>>
      %dma_wait3A_62 = arith.constant 0 : i32
      %dma_wait3A_63 = tpu.memref_slice %arg7[%sub3A_32, %dma_wait3A_62] : memref<16x128xi32, #tpu.memory_space<vmem>> -> memref<1x128xi32, #tpu.memory_space<vmem>>
      %dma_wait3A_64 = tpu.memref_squeeze %dma_wait3A_63 : memref<1x128xi32, #tpu.memory_space<vmem>> -> memref<128xi32, #tpu.memory_space<vmem>>
      %dma_wait3A_65 = arith.constant 0 : i32
      %dma_wait3A_66 = arith.constant 0 : i32
      %dma_wait3A_67 = tpu.memref_slice %arg2[%dma_wait3A_65, %dma_wait3A_66] : memref<20480x128xf32, #tpu.memory_space<hbm>> -> memref<20480x128xf32, #tpu.memory_space<hbm>>
      tpu.wait_indirect_dma semaphore(%arg10 : memref<!tpu.dma_semaphore, #tpu.memory_space<semaphore_mem>>) src(%dma_wait3A_67 : memref<20480x128xf32, #tpu.memory_space<hbm>>) dst(%dma_wait3A_61 : memref<128x128xf32, #tpu.memory_space<vmem>>)
      %mul3A_68 = arith.constant 2 : i32
      %mul3A_69 = arith.muli %mul3A_68, %scan3A_10 : i32
      %run_scoped3A = arith.constant 0 : i32
      "tpu.region"() ({
        %run_scoped3A_87 = tpu.sem_alloc : memref<!tpu.dma_semaphore, #tpu.memory_space<semaphore_mem>>
        %dma_start3A_88 = arith.constant 0 : i32
        %dma_start3A_89 = arith.constant 0 : i32
        %dma_start3A_90 = tpu.memref_slice %arg9[%run_scoped3A, %dma_start3A_88, %dma_start3A_89] : memref<2x128x128xf32, #tpu.memory_space<vmem>> -> memref<1x128x128xf32, #tpu.memory_space<vmem>>
        %dma_start3A_91 = tpu.memref_squeeze %dma_start3A_90 : memref<1x128x128xf32, #tpu.memory_space<vmem>> -> memref<128x128xf32, #tpu.memory_space<vmem>>
        %dma_start3A_92 = arith.constant 0 : i32
        %dma_start3A_93 = tpu.memref_slice %arg8[%mul3A_69, %dma_start3A_92] : memref<80x128xi32, #tpu.memory_space<vmem>> -> memref<1x128xi32, #tpu.memory_space<vmem>>
        %dma_start3A_94 = tpu.memref_squeeze %dma_start3A_93 : memref<1x128xi32, #tpu.memory_space<vmem>> -> memref<128xi32, #tpu.memory_space<vmem>>
        %dma_start3A_95 = arith.constant 0 : i32
        %dma_start3A_96 = arith.constant 0 : i32
        %dma_start3A_97 = tpu.memref_slice %arg6[%dma_start3A_95, %dma_start3A_96] : memref<10240x128xf32, #tpu.memory_space<vmem_shared>> -> memref<10240x128xf32, #tpu.memory_space<vmem_shared>>
        tpu.enqueue_indirect_dma source(%dma_start3A_91 : memref<128x128xf32, #tpu.memory_space<vmem>>) target(%dma_start3A_97 : memref<10240x128xf32, #tpu.memory_space<vmem_shared>>) offsets(%dma_start3A_94 : memref<128xi32, #tpu.memory_space<vmem>>) semaphore(%run_scoped3A_87 : memref<!tpu.dma_semaphore, #tpu.memory_space<semaphore_mem>>) {add = true}
        %dma_wait3A_98 = arith.constant 0 : i32
        %dma_wait3A_99 = arith.constant 0 : i32
        %dma_wait3A_100 = tpu.memref_slice %arg9[%run_scoped3A, %dma_wait3A_98, %dma_wait3A_99] : memref<2x128x128xf32, #tpu.memory_space<vmem>> -> memref<1x128x128xf32, #tpu.memory_space<vmem>>
        %dma_wait3A_101 = tpu.memref_squeeze %dma_wait3A_100 : memref<1x128x128xf32, #tpu.memory_space<vmem>> -> memref<128x128xf32, #tpu.memory_space<vmem>>
        %dma_wait3A_102 = arith.constant 0 : i32
        %dma_wait3A_103 = tpu.memref_slice %arg8[%mul3A_69, %dma_wait3A_102] : memref<80x128xi32, #tpu.memory_space<vmem>> -> memref<1x128xi32, #tpu.memory_space<vmem>>
        %dma_wait3A_104 = tpu.memref_squeeze %dma_wait3A_103 : memref<1x128xi32, #tpu.memory_space<vmem>> -> memref<128xi32, #tpu.memory_space<vmem>>
        %dma_wait3A_105 = arith.constant 0 : i32
        %dma_wait3A_106 = arith.constant 0 : i32
        %dma_wait3A_107 = tpu.memref_slice %arg6[%dma_wait3A_105, %dma_wait3A_106] : memref<10240x128xf32, #tpu.memory_space<vmem_shared>> -> memref<10240x128xf32, #tpu.memory_space<vmem_shared>>
        tpu.wait_indirect_dma semaphore(%run_scoped3A_87 : memref<!tpu.dma_semaphore, #tpu.memory_space<semaphore_mem>>) src(%dma_wait3A_101 : memref<128x128xf32, #tpu.memory_space<vmem>>) dst(%dma_wait3A_107 : memref<10240x128xf32, #tpu.memory_space<vmem_shared>>)
        tpu.yield
      }) : () -> ()
      %dma_wait3A_70 = arith.constant 1 : i32
      %dma_wait3A_71 = arith.constant 0 : i32
      %dma_wait3A_72 = arith.constant 0 : i32
      %dma_wait3A_73 = tpu.memref_slice %arg9[%dma_wait3A_70, %dma_wait3A_71, %dma_wait3A_72] : memref<2x128x128xf32, #tpu.memory_space<vmem>> -> memref<1x128x128xf32, #tpu.memory_space<vmem>>
      %dma_wait3A_74 = tpu.memref_squeeze %dma_wait3A_73 : memref<1x128x128xf32, #tpu.memory_space<vmem>> -> memref<128x128xf32, #tpu.memory_space<vmem>>
      %dma_wait3A_75 = arith.constant 0 : i32
      %dma_wait3A_76 = tpu.memref_slice %arg7[%add3A_46, %dma_wait3A_75] : memref<16x128xi32, #tpu.memory_space<vmem>> -> memref<1x128xi32, #tpu.memory_space<vmem>>
      %dma_wait3A_77 = tpu.memref_squeeze %dma_wait3A_76 : memref<1x128xi32, #tpu.memory_space<vmem>> -> memref<128xi32, #tpu.memory_space<vmem>>
      %dma_wait3A_78 = arith.constant 0 : i32
      %dma_wait3A_79 = arith.constant 0 : i32
      %dma_wait3A_80 = tpu.memref_slice %arg2[%dma_wait3A_78, %dma_wait3A_79] : memref<20480x128xf32, #tpu.memory_space<hbm>> -> memref<20480x128xf32, #tpu.memory_space<hbm>>
      tpu.wait_indirect_dma semaphore(%arg10 : memref<!tpu.dma_semaphore, #tpu.memory_space<semaphore_mem>>) src(%dma_wait3A_80 : memref<20480x128xf32, #tpu.memory_space<hbm>>) dst(%dma_wait3A_74 : memref<128x128xf32, #tpu.memory_space<vmem>>)
      %mul3A_81 = arith.constant 2 : i32
      %mul3A_82 = arith.muli %mul3A_81, %scan3A_10 : i32
      %add3A_83 = arith.constant 1 : i32
      %add3A_84 = arith.addi %mul3A_82, %add3A_83 : i32
      %run_scoped3A_85 = arith.constant 1 : i32
      "tpu.region"() ({
        %run_scoped3A_87 = tpu.sem_alloc : memref<!tpu.dma_semaphore, #tpu.memory_space<semaphore_mem>>
        %dma_start3A_88 = arith.constant 0 : i32
        %dma_start3A_89 = arith.constant 0 : i32
        %dma_start3A_90 = tpu.memref_slice %arg9[%run_scoped3A_85, %dma_start3A_88, %dma_start3A_89] : memref<2x128x128xf32, #tpu.memory_space<vmem>> -> memref<1x128x128xf32, #tpu.memory_space<vmem>>
        %dma_start3A_91 = tpu.memref_squeeze %dma_start3A_90 : memref<1x128x128xf32, #tpu.memory_space<vmem>> -> memref<128x128xf32, #tpu.memory_space<vmem>>
        %dma_start3A_92 = arith.constant 0 : i32
        %dma_start3A_93 = tpu.memref_slice %arg8[%add3A_84, %dma_start3A_92] : memref<80x128xi32, #tpu.memory_space<vmem>> -> memref<1x128xi32, #tpu.memory_space<vmem>>
        %dma_start3A_94 = tpu.memref_squeeze %dma_start3A_93 : memref<1x128xi32, #tpu.memory_space<vmem>> -> memref<128xi32, #tpu.memory_space<vmem>>
        %dma_start3A_95 = arith.constant 0 : i32
        %dma_start3A_96 = arith.constant 0 : i32
        %dma_start3A_97 = tpu.memref_slice %arg6[%dma_start3A_95, %dma_start3A_96] : memref<10240x128xf32, #tpu.memory_space<vmem_shared>> -> memref<10240x128xf32, #tpu.memory_space<vmem_shared>>
        tpu.enqueue_indirect_dma source(%dma_start3A_91 : memref<128x128xf32, #tpu.memory_space<vmem>>) target(%dma_start3A_97 : memref<10240x128xf32, #tpu.memory_space<vmem_shared>>) offsets(%dma_start3A_94 : memref<128xi32, #tpu.memory_space<vmem>>) semaphore(%run_scoped3A_87 : memref<!tpu.dma_semaphore, #tpu.memory_space<semaphore_mem>>) {add = true}
        %dma_wait3A_98 = arith.constant 0 : i32
        %dma_wait3A_99 = arith.constant 0 : i32
        %dma_wait3A_100 = tpu.memref_slice %arg9[%run_scoped3A_85, %dma_wait3A_98, %dma_wait3A_99] : memref<2x128x128xf32, #tpu.memory_space<vmem>> -> memref<1x128x128xf32, #tpu.memory_space<vmem>>
        %dma_wait3A_101 = tpu.memref_squeeze %dma_wait3A_100 : memref<1x128x128xf32, #tpu.memory_space<vmem>> -> memref<128x128xf32, #tpu.memory_space<vmem>>
        %dma_wait3A_102 = arith.constant 0 : i32
        %dma_wait3A_103 = tpu.memref_slice %arg8[%add3A_84, %dma_wait3A_102] : memref<80x128xi32, #tpu.memory_space<vmem>> -> memref<1x128xi32, #tpu.memory_space<vmem>>
        %dma_wait3A_104 = tpu.memref_squeeze %dma_wait3A_103 : memref<1x128xi32, #tpu.memory_space<vmem>> -> memref<128xi32, #tpu.memory_space<vmem>>
        %dma_wait3A_105 = arith.constant 0 : i32
        %dma_wait3A_106 = arith.constant 0 : i32
        %dma_wait3A_107 = tpu.memref_slice %arg6[%dma_wait3A_105, %dma_wait3A_106] : memref<10240x128xf32, #tpu.memory_space<vmem_shared>> -> memref<10240x128xf32, #tpu.memory_space<vmem_shared>>
        tpu.wait_indirect_dma semaphore(%run_scoped3A_87 : memref<!tpu.dma_semaphore, #tpu.memory_space<semaphore_mem>>) src(%dma_wait3A_101 : memref<128x128xf32, #tpu.memory_space<vmem>>) dst(%dma_wait3A_107 : memref<10240x128xf32, #tpu.memory_space<vmem_shared>>)
        tpu.yield
      }) : () -> ()
      %scan3A_86 = arith.constant 0 : i32
      scf.yield %scan3A_86 : i32
    }
    %scan3A_8 = arith.constant 40 : i32
    %barrier3A_9 = arith.constant 0 : index
    tpu.barrier barrier_id(%barrier3A_9)
    "tpu.region"() ({
      %run_scoped3A = tpu.sem_alloc : memref<!tpu.dma_semaphore, #tpu.memory_space<semaphore_mem>>
      %dma_start3A = arith.constant 0 : i32
      %dma_start3A_10 = tpu.memref_slice %arg5[%arg0, %mul3A_0, %dma_start3A] : memref<2x10240x128xf32, #tpu.memory_space<hbm>> -> memref<1x640x128xf32, #tpu.memory_space<hbm>>
      %dma_start3A_11 = tpu.memref_squeeze %dma_start3A_10 : memref<1x640x128xf32, #tpu.memory_space<hbm>> -> memref<640x128xf32, #tpu.memory_space<hbm>>
      %dma_start3A_12 = arith.constant 0 : i32
      %dma_start3A_13 = tpu.memref_slice %arg6[%mul3A_0, %dma_start3A_12] : memref<10240x128xf32, #tpu.memory_space<vmem_shared>> -> memref<640x128xf32, #tpu.memory_space<vmem_shared>>
      tpu.enqueue_dma source(%dma_start3A_13 : memref<640x128xf32, #tpu.memory_space<vmem_shared>>) target(%dma_start3A_11 : memref<640x128xf32, #tpu.memory_space<hbm>>) target_semaphore(%run_scoped3A : memref<!tpu.dma_semaphore, #tpu.memory_space<semaphore_mem>>)
      %dma_wait3A = arith.constant 0 : i32
      %dma_wait3A_14 = tpu.memref_slice %arg5[%arg0, %mul3A_0, %dma_wait3A] : memref<2x10240x128xf32, #tpu.memory_space<hbm>> -> memref<1x640x128xf32, #tpu.memory_space<hbm>>
      %dma_wait3A_15 = tpu.memref_squeeze %dma_wait3A_14 : memref<1x640x128xf32, #tpu.memory_space<hbm>> -> memref<640x128xf32, #tpu.memory_space<hbm>>
      %dma_wait3A_16 = arith.constant 0 : i32
      %dma_wait3A_17 = tpu.memref_slice %arg6[%mul3A_0, %dma_wait3A_16] : memref<10240x128xf32, #tpu.memory_space<vmem_shared>> -> memref<640x128xf32, #tpu.memory_space<vmem_shared>>
      tpu.wait_dma2 semaphore(%run_scoped3A : memref<!tpu.dma_semaphore, #tpu.memory_space<semaphore_mem>>) src(%dma_wait3A_17 : memref<640x128xf32, #tpu.memory_space<vmem_shared>>) dst(%dma_wait3A_15 : memref<640x128xf32, #tpu.memory_space<hbm>>)
      tpu.yield
    }) : () -> ()
    return
  }
}

#map = affine_map<(d0, d1) -> (0, 0)>
#map1 = affine_map<(d0, d1) -> (0, 0, 0, 0)>
#map2 = affine_map<(d0, d1) -> (0, 0, 0)>
module attributes {stable_mosaic.version = 14 : i64} {
  func.func @_agg_body(%arg0: i32, %arg1: i32, %arg2: memref<20480x128xf32, #tpu.memory_space<hbm>>, %arg3: memref<2x16x80x128xi32, #tpu.memory_space<hbm>>, %arg4: memref<16x80x128xi32, #tpu.memory_space<hbm>>, %arg5: memref<2x10240x128xf32, #tpu.memory_space<hbm>>, %arg6: memref<10240x128xf32, #tpu.memory_space<vmem_shared>>, %arg7: memref<16x128xi32, #tpu.memory_space<vmem>>, %arg8: memref<80x128xi32, #tpu.memory_space<vmem>>, %arg9: memref<2x128x128xf32, #tpu.memory_space<vmem>>, %arg10: memref<!tpu.dma_semaphore, #tpu.memory_space<semaphore_mem>>) attributes {dimension_semantics = [#tpu.dimension_semantics<core_parallel>, #tpu.dimension_semantics<subcore_parallel>], iteration_bounds = array<i64: 2, 16>, scalar_prefetch = 0 : i64, scratch_operands = 5 : i64, tpu.core_type = #tpu.core_type<sc_vector_subcore>, window_params = [{transform_indices = #map}, {transform_indices = #map1}, {transform_indices = #map2}, {transform_indices = #map2}]} {
    %mul3A = arith.constant 640 : i32
    %mul3A_0 = arith.muli %arg1, %mul3A : i32
    "tpu.region"() ({
      %run_scoped3A = tpu.sem_alloc : memref<!tpu.dma_semaphore, #tpu.memory_space<semaphore_mem>>
      %dma_start3A = arith.constant 0 : i32
      %dma_start3A_10 = arith.constant 0 : i32
      %dma_start3A_11 = tpu.memref_slice %arg4[%arg1, %dma_start3A, %dma_start3A_10] : memref<16x80x128xi32, #tpu.memory_space<hbm>> -> memref<1x80x128xi32, #tpu.memory_space<hbm>>
      %dma_start3A_12 = tpu.memref_squeeze %dma_start3A_11 : memref<1x80x128xi32, #tpu.memory_space<hbm>> -> memref<80x128xi32, #tpu.memory_space<hbm>>
      %dma_start3A_13 = arith.constant 0 : i32
      %dma_start3A_14 = arith.constant 0 : i32
      %dma_start3A_15 = tpu.memref_slice %arg4[%arg1, %dma_start3A_13, %dma_start3A_14] : memref<16x80x128xi32, #tpu.memory_space<hbm>> -> memref<1x80x128xi32, #tpu.memory_space<hbm>>
      %dma_start3A_16 = tpu.memref_squeeze %dma_start3A_15 : memref<1x80x128xi32, #tpu.memory_space<hbm>> -> memref<80x128xi32, #tpu.memory_space<hbm>>
      tpu.enqueue_dma source(%dma_start3A_16 : memref<80x128xi32, #tpu.memory_space<hbm>>) target(%arg8 : memref<80x128xi32, #tpu.memory_space<vmem>>) target_semaphore(%run_scoped3A : memref<!tpu.dma_semaphore, #tpu.memory_space<semaphore_mem>>)
      %dma_wait3A = arith.constant 0 : i32
      %dma_wait3A_17 = arith.constant 0 : i32
      %dma_wait3A_18 = tpu.memref_slice %arg4[%arg1, %dma_wait3A, %dma_wait3A_17] : memref<16x80x128xi32, #tpu.memory_space<hbm>> -> memref<1x80x128xi32, #tpu.memory_space<hbm>>
      %dma_wait3A_19 = tpu.memref_squeeze %dma_wait3A_18 : memref<1x80x128xi32, #tpu.memory_space<hbm>> -> memref<80x128xi32, #tpu.memory_space<hbm>>
      %dma_wait3A_20 = arith.constant 0 : i32
      %dma_wait3A_21 = arith.constant 0 : i32
      %dma_wait3A_22 = tpu.memref_slice %arg4[%arg1, %dma_wait3A_20, %dma_wait3A_21] : memref<16x80x128xi32, #tpu.memory_space<hbm>> -> memref<1x80x128xi32, #tpu.memory_space<hbm>>
      %dma_wait3A_23 = tpu.memref_squeeze %dma_wait3A_22 : memref<1x80x128xi32, #tpu.memory_space<hbm>> -> memref<80x128xi32, #tpu.memory_space<hbm>>
      tpu.wait_dma2 semaphore(%run_scoped3A : memref<!tpu.dma_semaphore, #tpu.memory_space<semaphore_mem>>) src(%dma_wait3A_23 : memref<80x128xi32, #tpu.memory_space<hbm>>) dst(%arg8 : memref<80x128xi32, #tpu.memory_space<vmem>>)
      tpu.yield
    }) : () -> ()
    %mul3A_1 = arith.constant 10240 : i32
    %mul3A_2 = arith.muli %arg0, %mul3A_1 : i32
    %add3A = arith.addi %mul3A_2, %mul3A_0 : i32
    "tpu.region"() ({
      %run_scoped3A = tpu.sem_alloc : memref<!tpu.dma_semaphore, #tpu.memory_space<semaphore_mem>>
      %dma_start3A = arith.constant 0 : i32
      %dma_start3A_10 = tpu.memref_slice %arg6[%mul3A_0, %dma_start3A] : memref<10240x128xf32, #tpu.memory_space<vmem_shared>> -> memref<640x128xf32, #tpu.memory_space<vmem_shared>>
      %dma_start3A_11 = arith.constant 0 : i32
      %dma_start3A_12 = tpu.memref_slice %arg2[%add3A, %dma_start3A_11] : memref<20480x128xf32, #tpu.memory_space<hbm>> -> memref<640x128xf32, #tpu.memory_space<hbm>>
      tpu.enqueue_dma source(%dma_start3A_12 : memref<640x128xf32, #tpu.memory_space<hbm>>) target(%dma_start3A_10 : memref<640x128xf32, #tpu.memory_space<vmem_shared>>) target_semaphore(%run_scoped3A : memref<!tpu.dma_semaphore, #tpu.memory_space<semaphore_mem>>)
      %dma_wait3A = arith.constant 0 : i32
      %dma_wait3A_13 = tpu.memref_slice %arg6[%mul3A_0, %dma_wait3A] : memref<10240x128xf32, #tpu.memory_space<vmem_shared>> -> memref<640x128xf32, #tpu.memory_space<vmem_shared>>
      %dma_wait3A_14 = arith.constant 0 : i32
      %dma_wait3A_15 = tpu.memref_slice %arg2[%add3A, %dma_wait3A_14] : memref<20480x128xf32, #tpu.memory_space<hbm>> -> memref<640x128xf32, #tpu.memory_space<hbm>>
      tpu.wait_dma2 semaphore(%run_scoped3A : memref<!tpu.dma_semaphore, #tpu.memory_space<semaphore_mem>>) src(%dma_wait3A_15 : memref<640x128xf32, #tpu.memory_space<hbm>>) dst(%dma_wait3A_13 : memref<640x128xf32, #tpu.memory_space<vmem_shared>>)
      tpu.yield
    }) : () -> ()
    %barrier3A = arith.constant 0 : index
    tpu.barrier barrier_id(%barrier3A)
    %scan3A = arith.constant 0 : i32
    %scan3A_3 = arith.constant 0 : i32
    %scan3A_4 = arith.constant 40 : i32
    %scan3A_5 = arith.addi %scan3A_3, %scan3A_4 : i32
    %scan3A_6 = arith.constant 1 : i32
    %scan3A_7 = scf.for %scan3A_10 = %scan3A_3 to %scan3A_5 step %scan3A_6 iter_args(%scan3A_11 = %scan3A) -> (i32)  : i32 {
      %jit3A = arith.constant 8 : i32
      %div3A = arith.divsi %scan3A_10, %jit3A : i32
      %sign3A = arith.constant 0 : i32
      %sign3A_12 = arith.cmpi sgt, %scan3A_10, %sign3A : i32
      %sign3A_13 = arith.extui %sign3A_12 : i1 to i32
      %sign3A_14 = arith.constant 0 : i32
      %sign3A_15 = arith.cmpi slt, %scan3A_10, %sign3A_14 : i32
      %sign3A_16 = arith.extui %sign3A_15 : i1 to i32
      %sign3A_17 = arith.subi %sign3A_13, %sign3A_16 : i32
      %sign3A_18 = arith.constant 0 : i32
      %sign3A_19 = arith.cmpi sgt, %jit3A, %sign3A_18 : i32
      %sign3A_20 = arith.extui %sign3A_19 : i1 to i32
      %sign3A_21 = arith.constant 0 : i32
      %sign3A_22 = arith.cmpi slt, %jit3A, %sign3A_21 : i32
      %sign3A_23 = arith.extui %sign3A_22 : i1 to i32
      %sign3A_24 = arith.subi %sign3A_20, %sign3A_23 : i32
      %ne3A = arith.cmpi ne, %sign3A_17, %sign3A_24 : i32
      %rem3A = arith.remsi %scan3A_10, %jit3A : i32
      %ne3A_25 = arith.constant 0 : i32
      %ne3A_26 = arith.cmpi ne, %rem3A, %ne3A_25 : i32
      %and3A = arith.andi %ne3A, %ne3A_26 : i1
      %sub3A = arith.constant 1 : i32
      %sub3A_27 = arith.subi %div3A, %sub3A : i32
      %select_n3A = arith.select %and3A, %sub3A_27, %div3A : i32
      %mul3A_28 = arith.constant 2 : i32
      %mul3A_29 = arith.muli %mul3A_28, %scan3A_10 : i32
      %mul3A_30 = arith.constant 16 : i32
      %mul3A_31 = arith.muli %mul3A_30, %select_n3A : i32
      %sub3A_32 = arith.subi %mul3A_29, %mul3A_31 : i32
      %eq3A = arith.constant 0 : i32
      %eq3A_33 = arith.cmpi eq, %sub3A_32, %eq3A : i32
      %convert_element_type3A = arith.extui %eq3A_33 : i1 to i32
      %cond3A = arith.constant 0 : i32
      %cond3A_34 = arith.cmpi ne, %convert_element_type3A, %cond3A : i32
      scf.if %cond3A_34 {
        %mul3A_87 = arith.constant 16 : i32
        %mul3A_88 = arith.muli %select_n3A, %mul3A_87 : i32
        "tpu.region"() ({
          %run_scoped3A_89 = tpu.sem_alloc : memref<!tpu.dma_semaphore, #tpu.memory_space<semaphore_mem>>
          %dma_start3A_90 = arith.constant 0 : i32
          %dma_start3A_91 = tpu.memref_slice %arg3[%arg0, %arg1, %mul3A_88, %dma_start3A_90] : memref<2x16x80x128xi32, #tpu.memory_space<hbm>> -> memref<1x1x16x128xi32, #tpu.memory_space<hbm>>
          %dma_start3A_92 = tpu.memref_squeeze %dma_start3A_91 : memref<1x1x16x128xi32, #tpu.memory_space<hbm>> -> memref<16x128xi32, #tpu.memory_space<hbm>>
          %dma_start3A_93 = arith.constant 0 : i32
          %dma_start3A_94 = tpu.memref_slice %arg3[%arg0, %arg1, %mul3A_88, %dma_start3A_93] : memref<2x16x80x128xi32, #tpu.memory_space<hbm>> -> memref<1x1x16x128xi32, #tpu.memory_space<hbm>>
          %dma_start3A_95 = tpu.memref_squeeze %dma_start3A_94 : memref<1x1x16x128xi32, #tpu.memory_space<hbm>> -> memref<16x128xi32, #tpu.memory_space<hbm>>
          tpu.enqueue_dma source(%dma_start3A_95 : memref<16x128xi32, #tpu.memory_space<hbm>>) target(%arg7 : memref<16x128xi32, #tpu.memory_space<vmem>>) target_semaphore(%run_scoped3A_89 : memref<!tpu.dma_semaphore, #tpu.memory_space<semaphore_mem>>)
          %dma_wait3A_96 = arith.constant 0 : i32
          %dma_wait3A_97 = tpu.memref_slice %arg3[%arg0, %arg1, %mul3A_88, %dma_wait3A_96] : memref<2x16x80x128xi32, #tpu.memory_space<hbm>> -> memref<1x1x16x128xi32, #tpu.memory_space<hbm>>
          %dma_wait3A_98 = tpu.memref_squeeze %dma_wait3A_97 : memref<1x1x16x128xi32, #tpu.memory_space<hbm>> -> memref<16x128xi32, #tpu.memory_space<hbm>>
          %dma_wait3A_99 = arith.constant 0 : i32
          %dma_wait3A_100 = tpu.memref_slice %arg3[%arg0, %arg1, %mul3A_88, %dma_wait3A_99] : memref<2x16x80x128xi32, #tpu.memory_space<hbm>> -> memref<1x1x16x128xi32, #tpu.memory_space<hbm>>
          %dma_wait3A_101 = tpu.memref_squeeze %dma_wait3A_100 : memref<1x1x16x128xi32, #tpu.memory_space<hbm>> -> memref<16x128xi32, #tpu.memory_space<hbm>>
          tpu.wait_dma2 semaphore(%run_scoped3A_89 : memref<!tpu.dma_semaphore, #tpu.memory_space<semaphore_mem>>) src(%dma_wait3A_101 : memref<16x128xi32, #tpu.memory_space<hbm>>) dst(%arg7 : memref<16x128xi32, #tpu.memory_space<vmem>>)
          tpu.yield
        }) : () -> ()
      } else {
      }
      %dma_start3A = arith.constant 0 : i32
      %dma_start3A_35 = arith.constant 0 : i32
      %dma_start3A_36 = arith.constant 0 : i32
      %dma_start3A_37 = tpu.memref_slice %arg9[%dma_start3A, %dma_start3A_35, %dma_start3A_36] : memref<2x128x128xf32, #tpu.memory_space<vmem>> -> memref<1x128x128xf32, #tpu.memory_space<vmem>>
      %dma_start3A_38 = tpu.memref_squeeze %dma_start3A_37 : memref<1x128x128xf32, #tpu.memory_space<vmem>> -> memref<128x128xf32, #tpu.memory_space<vmem>>
      %dma_start3A_39 = arith.constant 0 : i32
      %dma_start3A_40 = tpu.memref_slice %arg7[%sub3A_32, %dma_start3A_39] : memref<16x128xi32, #tpu.memory_space<vmem>> -> memref<1x128xi32, #tpu.memory_space<vmem>>
      %dma_start3A_41 = tpu.memref_squeeze %dma_start3A_40 : memref<1x128xi32, #tpu.memory_space<vmem>> -> memref<128xi32, #tpu.memory_space<vmem>>
      %dma_start3A_42 = arith.constant 0 : i32
      %dma_start3A_43 = arith.constant 0 : i32
      %dma_start3A_44 = tpu.memref_slice %arg2[%dma_start3A_42, %dma_start3A_43] : memref<20480x128xf32, #tpu.memory_space<hbm>> -> memref<20480x128xf32, #tpu.memory_space<hbm>>
      tpu.enqueue_indirect_dma source(%dma_start3A_44 : memref<20480x128xf32, #tpu.memory_space<hbm>>) target(%dma_start3A_38 : memref<128x128xf32, #tpu.memory_space<vmem>>) offsets(%dma_start3A_41 : memref<128xi32, #tpu.memory_space<vmem>>) semaphore(%arg10 : memref<!tpu.dma_semaphore, #tpu.memory_space<semaphore_mem>>)
      %add3A_45 = arith.constant 1 : i32
      %add3A_46 = arith.addi %sub3A_32, %add3A_45 : i32
      %dma_start3A_47 = arith.constant 1 : i32
      %dma_start3A_48 = arith.constant 0 : i32
      %dma_start3A_49 = arith.constant 0 : i32
      %dma_start3A_50 = tpu.memref_slice %arg9[%dma_start3A_47, %dma_start3A_48, %dma_start3A_49] : memref<2x128x128xf32, #tpu.memory_space<vmem>> -> memref<1x128x128xf32, #tpu.memory_space<vmem>>
      %dma_start3A_51 = tpu.memref_squeeze %dma_start3A_50 : memref<1x128x128xf32, #tpu.memory_space<vmem>> -> memref<128x128xf32, #tpu.memory_space<vmem>>
      %dma_start3A_52 = arith.constant 0 : i32
      %dma_start3A_53 = tpu.memref_slice %arg7[%add3A_46, %dma_start3A_52] : memref<16x128xi32, #tpu.memory_space<vmem>> -> memref<1x128xi32, #tpu.memory_space<vmem>>
      %dma_start3A_54 = tpu.memref_squeeze %dma_start3A_53 : memref<1x128xi32, #tpu.memory_space<vmem>> -> memref<128xi32, #tpu.memory_space<vmem>>
      %dma_start3A_55 = arith.constant 0 : i32
      %dma_start3A_56 = arith.constant 0 : i32
      %dma_start3A_57 = tpu.memref_slice %arg2[%dma_start3A_55, %dma_start3A_56] : memref<20480x128xf32, #tpu.memory_space<hbm>> -> memref<20480x128xf32, #tpu.memory_space<hbm>>
      tpu.enqueue_indirect_dma source(%dma_start3A_57 : memref<20480x128xf32, #tpu.memory_space<hbm>>) target(%dma_start3A_51 : memref<128x128xf32, #tpu.memory_space<vmem>>) offsets(%dma_start3A_54 : memref<128xi32, #tpu.memory_space<vmem>>) semaphore(%arg10 : memref<!tpu.dma_semaphore, #tpu.memory_space<semaphore_mem>>)
      %dma_wait3A = arith.constant 0 : i32
      %dma_wait3A_58 = arith.constant 0 : i32
      %dma_wait3A_59 = arith.constant 0 : i32
      %dma_wait3A_60 = tpu.memref_slice %arg9[%dma_wait3A, %dma_wait3A_58, %dma_wait3A_59] : memref<2x128x128xf32, #tpu.memory_space<vmem>> -> memref<1x128x128xf32, #tpu.memory_space<vmem>>
      %dma_wait3A_61 = tpu.memref_squeeze %dma_wait3A_60 : memref<1x128x128xf32, #tpu.memory_space<vmem>> -> memref<128x128xf32, #tpu.memory_space<vmem>>
      %dma_wait3A_62 = arith.constant 0 : i32
      %dma_wait3A_63 = tpu.memref_slice %arg7[%sub3A_32, %dma_wait3A_62] : memref<16x128xi32, #tpu.memory_space<vmem>> -> memref<1x128xi32, #tpu.memory_space<vmem>>
      %dma_wait3A_64 = tpu.memref_squeeze %dma_wait3A_63 : memref<1x128xi32, #tpu.memory_space<vmem>> -> memref<128xi32, #tpu.memory_space<vmem>>
      %dma_wait3A_65 = arith.constant 0 : i32
      %dma_wait3A_66 = arith.constant 0 : i32
      %dma_wait3A_67 = tpu.memref_slice %arg2[%dma_wait3A_65, %dma_wait3A_66] : memref<20480x128xf32, #tpu.memory_space<hbm>> -> memref<20480x128xf32, #tpu.memory_space<hbm>>
      tpu.wait_indirect_dma semaphore(%arg10 : memref<!tpu.dma_semaphore, #tpu.memory_space<semaphore_mem>>) src(%dma_wait3A_67 : memref<20480x128xf32, #tpu.memory_space<hbm>>) dst(%dma_wait3A_61 : memref<128x128xf32, #tpu.memory_space<vmem>>)
      %mul3A_68 = arith.constant 2 : i32
      %mul3A_69 = arith.muli %mul3A_68, %scan3A_10 : i32
      %run_scoped3A = arith.constant 0 : i32
      "tpu.region"() ({
        %run_scoped3A_87 = tpu.sem_alloc : memref<!tpu.dma_semaphore, #tpu.memory_space<semaphore_mem>>
        %dma_start3A_88 = arith.constant 0 : i32
        %dma_start3A_89 = arith.constant 0 : i32
        %dma_start3A_90 = tpu.memref_slice %arg9[%run_scoped3A, %dma_start3A_88, %dma_start3A_89] : memref<2x128x128xf32, #tpu.memory_space<vmem>> -> memref<1x128x128xf32, #tpu.memory_space<vmem>>
        %dma_start3A_91 = tpu.memref_squeeze %dma_start3A_90 : memref<1x128x128xf32, #tpu.memory_space<vmem>> -> memref<128x128xf32, #tpu.memory_space<vmem>>
        %dma_start3A_92 = arith.constant 0 : i32
        %dma_start3A_93 = tpu.memref_slice %arg8[%mul3A_69, %dma_start3A_92] : memref<80x128xi32, #tpu.memory_space<vmem>> -> memref<1x128xi32, #tpu.memory_space<vmem>>
        %dma_start3A_94 = tpu.memref_squeeze %dma_start3A_93 : memref<1x128xi32, #tpu.memory_space<vmem>> -> memref<128xi32, #tpu.memory_space<vmem>>
        %dma_start3A_95 = arith.constant 0 : i32
        %dma_start3A_96 = arith.constant 0 : i32
        %dma_start3A_97 = tpu.memref_slice %arg6[%dma_start3A_95, %dma_start3A_96] : memref<10240x128xf32, #tpu.memory_space<vmem_shared>> -> memref<10240x128xf32, #tpu.memory_space<vmem_shared>>
        tpu.enqueue_indirect_dma source(%dma_start3A_91 : memref<128x128xf32, #tpu.memory_space<vmem>>) target(%dma_start3A_97 : memref<10240x128xf32, #tpu.memory_space<vmem_shared>>) offsets(%dma_start3A_94 : memref<128xi32, #tpu.memory_space<vmem>>) semaphore(%run_scoped3A_87 : memref<!tpu.dma_semaphore, #tpu.memory_space<semaphore_mem>>) {add = true}
        %dma_wait3A_98 = arith.constant 0 : i32
        %dma_wait3A_99 = arith.constant 0 : i32
        %dma_wait3A_100 = tpu.memref_slice %arg9[%run_scoped3A, %dma_wait3A_98, %dma_wait3A_99] : memref<2x128x128xf32, #tpu.memory_space<vmem>> -> memref<1x128x128xf32, #tpu.memory_space<vmem>>
        %dma_wait3A_101 = tpu.memref_squeeze %dma_wait3A_100 : memref<1x128x128xf32, #tpu.memory_space<vmem>> -> memref<128x128xf32, #tpu.memory_space<vmem>>
        %dma_wait3A_102 = arith.constant 0 : i32
        %dma_wait3A_103 = tpu.memref_slice %arg8[%mul3A_69, %dma_wait3A_102] : memref<80x128xi32, #tpu.memory_space<vmem>> -> memref<1x128xi32, #tpu.memory_space<vmem>>
        %dma_wait3A_104 = tpu.memref_squeeze %dma_wait3A_103 : memref<1x128xi32, #tpu.memory_space<vmem>> -> memref<128xi32, #tpu.memory_space<vmem>>
        %dma_wait3A_105 = arith.constant 0 : i32
        %dma_wait3A_106 = arith.constant 0 : i32
        %dma_wait3A_107 = tpu.memref_slice %arg6[%dma_wait3A_105, %dma_wait3A_106] : memref<10240x128xf32, #tpu.memory_space<vmem_shared>> -> memref<10240x128xf32, #tpu.memory_space<vmem_shared>>
        tpu.wait_indirect_dma semaphore(%run_scoped3A_87 : memref<!tpu.dma_semaphore, #tpu.memory_space<semaphore_mem>>) src(%dma_wait3A_101 : memref<128x128xf32, #tpu.memory_space<vmem>>) dst(%dma_wait3A_107 : memref<10240x128xf32, #tpu.memory_space<vmem_shared>>)
        tpu.yield
      }) : () -> ()
      %dma_wait3A_70 = arith.constant 1 : i32
      %dma_wait3A_71 = arith.constant 0 : i32
      %dma_wait3A_72 = arith.constant 0 : i32
      %dma_wait3A_73 = tpu.memref_slice %arg9[%dma_wait3A_70, %dma_wait3A_71, %dma_wait3A_72] : memref<2x128x128xf32, #tpu.memory_space<vmem>> -> memref<1x128x128xf32, #tpu.memory_space<vmem>>
      %dma_wait3A_74 = tpu.memref_squeeze %dma_wait3A_73 : memref<1x128x128xf32, #tpu.memory_space<vmem>> -> memref<128x128xf32, #tpu.memory_space<vmem>>
      %dma_wait3A_75 = arith.constant 0 : i32
      %dma_wait3A_76 = tpu.memref_slice %arg7[%add3A_46, %dma_wait3A_75] : memref<16x128xi32, #tpu.memory_space<vmem>> -> memref<1x128xi32, #tpu.memory_space<vmem>>
      %dma_wait3A_77 = tpu.memref_squeeze %dma_wait3A_76 : memref<1x128xi32, #tpu.memory_space<vmem>> -> memref<128xi32, #tpu.memory_space<vmem>>
      %dma_wait3A_78 = arith.constant 0 : i32
      %dma_wait3A_79 = arith.constant 0 : i32
      %dma_wait3A_80 = tpu.memref_slice %arg2[%dma_wait3A_78, %dma_wait3A_79] : memref<20480x128xf32, #tpu.memory_space<hbm>> -> memref<20480x128xf32, #tpu.memory_space<hbm>>
      tpu.wait_indirect_dma semaphore(%arg10 : memref<!tpu.dma_semaphore, #tpu.memory_space<semaphore_mem>>) src(%dma_wait3A_80 : memref<20480x128xf32, #tpu.memory_space<hbm>>) dst(%dma_wait3A_74 : memref<128x128xf32, #tpu.memory_space<vmem>>)
      %mul3A_81 = arith.constant 2 : i32
      %mul3A_82 = arith.muli %mul3A_81, %scan3A_10 : i32
      %add3A_83 = arith.constant 1 : i32
      %add3A_84 = arith.addi %mul3A_82, %add3A_83 : i32
      %run_scoped3A_85 = arith.constant 1 : i32
      "tpu.region"() ({
        %run_scoped3A_87 = tpu.sem_alloc : memref<!tpu.dma_semaphore, #tpu.memory_space<semaphore_mem>>
        %dma_start3A_88 = arith.constant 0 : i32
        %dma_start3A_89 = arith.constant 0 : i32
        %dma_start3A_90 = tpu.memref_slice %arg9[%run_scoped3A_85, %dma_start3A_88, %dma_start3A_89] : memref<2x128x128xf32, #tpu.memory_space<vmem>> -> memref<1x128x128xf32, #tpu.memory_space<vmem>>
        %dma_start3A_91 = tpu.memref_squeeze %dma_start3A_90 : memref<1x128x128xf32, #tpu.memory_space<vmem>> -> memref<128x128xf32, #tpu.memory_space<vmem>>
        %dma_start3A_92 = arith.constant 0 : i32
        %dma_start3A_93 = tpu.memref_slice %arg8[%add3A_84, %dma_start3A_92] : memref<80x128xi32, #tpu.memory_space<vmem>> -> memref<1x128xi32, #tpu.memory_space<vmem>>
        %dma_start3A_94 = tpu.memref_squeeze %dma_start3A_93 : memref<1x128xi32, #tpu.memory_space<vmem>> -> memref<128xi32, #tpu.memory_space<vmem>>
        %dma_start3A_95 = arith.constant 0 : i32
        %dma_start3A_96 = arith.constant 0 : i32
        %dma_start3A_97 = tpu.memref_slice %arg6[%dma_start3A_95, %dma_start3A_96] : memref<10240x128xf32, #tpu.memory_space<vmem_shared>> -> memref<10240x128xf32, #tpu.memory_space<vmem_shared>>
        tpu.enqueue_indirect_dma source(%dma_start3A_91 : memref<128x128xf32, #tpu.memory_space<vmem>>) target(%dma_start3A_97 : memref<10240x128xf32, #tpu.memory_space<vmem_shared>>) offsets(%dma_start3A_94 : memref<128xi32, #tpu.memory_space<vmem>>) semaphore(%run_scoped3A_87 : memref<!tpu.dma_semaphore, #tpu.memory_space<semaphore_mem>>) {add = true}
        %dma_wait3A_98 = arith.constant 0 : i32
        %dma_wait3A_99 = arith.constant 0 : i32
        %dma_wait3A_100 = tpu.memref_slice %arg9[%run_scoped3A_85, %dma_wait3A_98, %dma_wait3A_99] : memref<2x128x128xf32, #tpu.memory_space<vmem>> -> memref<1x128x128xf32, #tpu.memory_space<vmem>>
        %dma_wait3A_101 = tpu.memref_squeeze %dma_wait3A_100 : memref<1x128x128xf32, #tpu.memory_space<vmem>> -> memref<128x128xf32, #tpu.memory_space<vmem>>
        %dma_wait3A_102 = arith.constant 0 : i32
        %dma_wait3A_103 = tpu.memref_slice %arg8[%add3A_84, %dma_wait3A_102] : memref<80x128xi32, #tpu.memory_space<vmem>> -> memref<1x128xi32, #tpu.memory_space<vmem>>
        %dma_wait3A_104 = tpu.memref_squeeze %dma_wait3A_103 : memref<1x128xi32, #tpu.memory_space<vmem>> -> memref<128xi32, #tpu.memory_space<vmem>>
        %dma_wait3A_105 = arith.constant 0 : i32
        %dma_wait3A_106 = arith.constant 0 : i32
        %dma_wait3A_107 = tpu.memref_slice %arg6[%dma_wait3A_105, %dma_wait3A_106] : memref<10240x128xf32, #tpu.memory_space<vmem_shared>> -> memref<10240x128xf32, #tpu.memory_space<vmem_shared>>
        tpu.wait_indirect_dma semaphore(%run_scoped3A_87 : memref<!tpu.dma_semaphore, #tpu.memory_space<semaphore_mem>>) src(%dma_wait3A_101 : memref<128x128xf32, #tpu.memory_space<vmem>>) dst(%dma_wait3A_107 : memref<10240x128xf32, #tpu.memory_space<vmem_shared>>)
        tpu.yield
      }) : () -> ()
      %scan3A_86 = arith.constant 0 : i32
      scf.yield %scan3A_86 : i32
    }
    %scan3A_8 = arith.constant 40 : i32
    %barrier3A_9 = arith.constant 0 : index
    tpu.barrier barrier_id(%barrier3A_9)
    "tpu.region"() ({
      %run_scoped3A = tpu.sem_alloc : memref<!tpu.dma_semaphore, #tpu.memory_space<semaphore_mem>>
      %dma_start3A = arith.constant 0 : i32
      %dma_start3A_10 = tpu.memref_slice %arg5[%arg0, %mul3A_0, %dma_start3A] : memref<2x10240x128xf32, #tpu.memory_space<hbm>> -> memref<1x640x128xf32, #tpu.memory_space<hbm>>
      %dma_start3A_11 = tpu.memref_squeeze %dma_start3A_10 : memref<1x640x128xf32, #tpu.memory_space<hbm>> -> memref<640x128xf32, #tpu.memory_space<hbm>>
      %dma_start3A_12 = arith.constant 0 : i32
      %dma_start3A_13 = tpu.memref_slice %arg6[%mul3A_0, %dma_start3A_12] : memref<10240x128xf32, #tpu.memory_space<vmem_shared>> -> memref<640x128xf32, #tpu.memory_space<vmem_shared>>
      tpu.enqueue_dma source(%dma_start3A_13 : memref<640x128xf32, #tpu.memory_space<vmem_shared>>) target(%dma_start3A_11 : memref<640x128xf32, #tpu.memory_space<hbm>>) target_semaphore(%run_scoped3A : memref<!tpu.dma_semaphore, #tpu.memory_space<semaphore_mem>>)
      %dma_wait3A = arith.constant 0 : i32
      %dma_wait3A_14 = tpu.memref_slice %arg5[%arg0, %mul3A_0, %dma_wait3A] : memref<2x10240x128xf32, #tpu.memory_space<hbm>> -> memref<1x640x128xf32, #tpu.memory_space<hbm>>
      %dma_wait3A_15 = tpu.memref_squeeze %dma_wait3A_14 : memref<1x640x128xf32, #tpu.memory_space<hbm>> -> memref<640x128xf32, #tpu.memory_space<hbm>>
      %dma_wait3A_16 = arith.constant 0 : i32
      %dma_wait3A_17 = tpu.memref_slice %arg6[%mul3A_0, %dma_wait3A_16] : memref<10240x128xf32, #tpu.memory_space<vmem_shared>> -> memref<640x128xf32, #tpu.memory_space<vmem_shared>>
      tpu.wait_dma2 semaphore(%run_scoped3A : memref<!tpu.dma_semaphore, #tpu.memory_space<semaphore_mem>>) src(%dma_wait3A_17 : memref<640x128xf32, #tpu.memory_space<vmem_shared>>) dst(%dma_wait3A_15 : memref<640x128xf32, #tpu.memory_space<hbm>>)
      tpu.yield
    }) : () -> ()
    return
  }
}

module attributes {stable_mosaic.version = 14 : i64} {
  func.func @_prescale_body(%arg0: i32, %arg1: memref<640x256xf32, #tpu.memory_space<vmem>>, %arg2: memref<2x10240x16xf32, #tpu.memory_space<vmem>>, %arg3: memref<2x640x128xf32, #tpu.memory_space<vmem>>) attributes {dimension_semantics = [#tpu.dimension_semantics<arbitrary>], iteration_bounds = array<i64: 16>, scalar_prefetch = 0 : i64, scratch_operands = 0 : i64, tpu.core_type = #tpu.core_type<tc>, window_params = [{transform_indices = @transform_0, window_bounds = array<i64: 640, 256>}, {pipeline_mode = #tpu.pipeline_mode<synchronous>, transform_indices = @transform_1, window_bounds = array<i64: 2, 10240, 16>}, {transform_indices = @transform_2, window_bounds = array<i64: 2, 640, 128>}]} {
    %mul3A = arith.constant 640 : i32
    %mul3A_0 = arith.muli %arg0, %mul3A : i32
    %get3A = arith.constant 0 : index
    %get3A_1 = arith.index_cast %mul3A_0 : i32 to index
    %get3A_2 = arith.constant 0 : index
    %get3A_3 = vector.load %arg2[%get3A, %get3A_1, %get3A_2] : memref<2x10240x16xf32, #tpu.memory_space<vmem>>, vector<2x640x1xf32>
    %get3A_4 = vector.shape_cast %get3A_3 : vector<2x640x1xf32> to vector<2x640xf32>
    %slice3A = vector.extract_strided_slice %get3A_4 {offsets = [0, 0], sizes = [1, 640], strides = [1, 1]} : vector<2x640xf32> to vector<1x640xf32>
    %squeeze3A = vector.shape_cast %slice3A : vector<1x640xf32> to vector<640xf32>
    %add3A = arith.constant 1.000000e+00 : f32
    %add3A_5 = vector.broadcast %add3A : f32 to vector<640xf32>
    %add3A_6 = arith.addf %add3A_5, %squeeze3A : vector<640xf32>
    %slice3A_7 = vector.extract_strided_slice %get3A_4 {offsets = [1, 0], sizes = [1, 640], strides = [1, 1]} : vector<2x640xf32> to vector<1x640xf32>
    %squeeze3A_8 = vector.shape_cast %slice3A_7 : vector<1x640xf32> to vector<640xf32>
    %add3A_9 = arith.addf %add3A_6, %squeeze3A_8 : vector<640xf32>
    %rsqrt3A = math.rsqrt %add3A_9 : vector<640xf32>
    %get3A_10 = arith.constant 0 : index
    %get3A_11 = arith.constant 0 : index
    %get3A_12 = vector.load %arg1[%get3A_10, %get3A_11] : memref<640x256xf32, #tpu.memory_space<vmem>>, vector<640x256xf32>
    %broadcast_in_dim3A = vector.shape_cast %rsqrt3A : vector<640xf32> to vector<640x1xf32>
    %mul3A_13 = vector.broadcast %broadcast_in_dim3A : vector<640x1xf32> to vector<640x256xf32>
    %mul3A_14 = arith.mulf %get3A_12, %mul3A_13 : vector<640x256xf32>
    %slice3A_15 = vector.extract_strided_slice %mul3A_14 {offsets = [0, 0], sizes = [640, 128], strides = [1, 1]} : vector<640x256xf32> to vector<640x128xf32>
    %swap3A = arith.constant 0 : index
    %swap3A_16 = arith.constant 0 : index
    %swap3A_17 = arith.constant 0 : index
    %swap3A_18 = vector.load %arg3[%swap3A, %swap3A_16, %swap3A_17] : memref<2x640x128xf32, #tpu.memory_space<vmem>>, vector<1x640x128xf32>
    %swap3A_19 = vector.shape_cast %swap3A_18 : vector<1x640x128xf32> to vector<640x128xf32>
    %swap3A_20 = vector.shape_cast %slice3A_15 : vector<640x128xf32> to vector<1x640x128xf32>
    tpu.vector_store %arg3[%swap3A, %swap3A_16, %swap3A_17], %swap3A_20 {strides = array<i32>} : memref<2x640x128xf32, #tpu.memory_space<vmem>>, vector<1x640x128xf32>,
    %slice3A_21 = vector.extract_strided_slice %mul3A_14 {offsets = [0, 128], sizes = [640, 128], strides = [1, 1]} : vector<640x256xf32> to vector<640x128xf32>
    %swap3A_22 = arith.constant 1 : index
    %swap3A_23 = arith.constant 0 : index
    %swap3A_24 = arith.constant 0 : index
    %swap3A_25 = vector.load %arg3[%swap3A_22, %swap3A_23, %swap3A_24] : memref<2x640x128xf32, #tpu.memory_space<vmem>>, vector<1x640x128xf32>
    %swap3A_26 = vector.shape_cast %swap3A_25 : vector<1x640x128xf32> to vector<640x128xf32>
    %swap3A_27 = vector.shape_cast %slice3A_21 : vector<640x128xf32> to vector<1x640x128xf32>
    tpu.vector_store %arg3[%swap3A_22, %swap3A_23, %swap3A_24], %swap3A_27 {strides = array<i32>} : memref<2x640x128xf32, #tpu.memory_space<vmem>>, vector<1x640x128xf32>,
    return
  }
  func.func @transform_0(%arg0: i32) -> (i32, i32) {
    %c0_i32 = arith.constant 0 : i32
    %c0_i32_0 = arith.constant 0 : i32
    return %arg0, %c0_i32 : i32, i32
  }
  func.func @transform_1(%arg0: i32) -> (i32, i32, i32) {
    %c0_i32 = arith.constant 0 : i32
    %c0_i32_0 = arith.constant 0 : i32
    %c0_i32_1 = arith.constant 0 : i32
    %c0_i32_2 = arith.constant 0 : i32
    return %c0_i32, %c0_i32_0, %c0_i32_1 : i32, i32, i32
  }
  func.func @transform_2(%arg0: i32) -> (i32, i32, i32) {
    %c0_i32 = arith.constant 0 : i32
    %c0_i32_0 = arith.constant 0 : i32
    %c0_i32_1 = arith.constant 0 : i32
    return %c0_i32, %arg0, %c0_i32_0 : i32, i32, i32
  }
}

module attributes {stable_mosaic.version = 14 : i64} {
  func.func @_mlp_body(%arg0: i32, %arg1: memref<2x640x128xf32, #tpu.memory_space<vmem>>, %arg2: memref<2x10240x16xf32, #tpu.memory_space<vmem>>, %arg3: memref<256x512xf32, #tpu.memory_space<vmem>>, %arg4: memref<1x512xf32, #tpu.memory_space<vmem>>, %arg5: memref<512x256xf32, #tpu.memory_space<vmem>>, %arg6: memref<2x640x128xf32, #tpu.memory_space<vmem>>) attributes {dimension_semantics = [#tpu.dimension_semantics<arbitrary>], iteration_bounds = array<i64: 16>, scalar_prefetch = 0 : i64, scratch_operands = 0 : i64, tpu.core_type = #tpu.core_type<tc>, window_params = [{transform_indices = @transform_0, window_bounds = array<i64: 2, 640, 128>}, {pipeline_mode = #tpu.pipeline_mode<synchronous>, transform_indices = @transform_1, window_bounds = array<i64: 2, 10240, 16>}, {pipeline_mode = #tpu.pipeline_mode<synchronous>, transform_indices = @transform_2, window_bounds = array<i64: 256, 512>}, {pipeline_mode = #tpu.pipeline_mode<synchronous>, transform_indices = @transform_3, window_bounds = array<i64: 1, 512>}, {pipeline_mode = #tpu.pipeline_mode<synchronous>, transform_indices = @transform_4, window_bounds = array<i64: 512, 256>}, {transform_indices = @transform_5, window_bounds = array<i64: 2, 640, 128>}]} {
    %mul3A = arith.constant 640 : i32
    %mul3A_0 = arith.muli %arg0, %mul3A : i32
    %get3A = arith.constant 0 : index
    %get3A_1 = arith.index_cast %mul3A_0 : i32 to index
    %get3A_2 = arith.constant 0 : index
    %get3A_3 = vector.load %arg2[%get3A, %get3A_1, %get3A_2] : memref<2x10240x16xf32, #tpu.memory_space<vmem>>, vector<2x640x1xf32>
    %get3A_4 = vector.shape_cast %get3A_3 : vector<2x640x1xf32> to vector<2x640xf32>
    %slice3A = vector.extract_strided_slice %get3A_4 {offsets = [0, 0], sizes = [1, 640], strides = [1, 1]} : vector<2x640xf32> to vector<1x640xf32>
    %squeeze3A = vector.shape_cast %slice3A : vector<1x640xf32> to vector<640xf32>
    %add3A = arith.constant 1.000000e+00 : f32
    %add3A_5 = vector.broadcast %add3A : f32 to vector<640xf32>
    %add3A_6 = arith.addf %add3A_5, %squeeze3A : vector<640xf32>
    %slice3A_7 = vector.extract_strided_slice %get3A_4 {offsets = [1, 0], sizes = [1, 640], strides = [1, 1]} : vector<2x640xf32> to vector<1x640xf32>
    %squeeze3A_8 = vector.shape_cast %slice3A_7 : vector<1x640xf32> to vector<640xf32>
    %add3A_9 = arith.addf %add3A_6, %squeeze3A_8 : vector<640xf32>
    %rsqrt3A = math.rsqrt %add3A_9 : vector<640xf32>
    %get3A_10 = arith.constant 0 : index
    %get3A_11 = arith.constant 0 : index
    %get3A_12 = arith.constant 0 : index
    %get3A_13 = vector.load %arg1[%get3A_10, %get3A_11, %get3A_12] : memref<2x640x128xf32, #tpu.memory_space<vmem>>, vector<1x640x128xf32>
    %get3A_14 = vector.shape_cast %get3A_13 : vector<1x640x128xf32> to vector<640x128xf32>
    %get3A_15 = arith.constant 1 : index
    %get3A_16 = arith.constant 0 : index
    %get3A_17 = arith.constant 0 : index
    %get3A_18 = vector.load %arg1[%get3A_15, %get3A_16, %get3A_17] : memref<2x640x128xf32, #tpu.memory_space<vmem>>, vector<1x640x128xf32>
    %get3A_19 = vector.shape_cast %get3A_18 : vector<1x640x128xf32> to vector<640x128xf32>
    %concatenate3A = tpu.concatenate %get3A_14, %get3A_19 in 1 : vector<640x128xf32>, vector<640x128xf32> -> vector<640x256xf32>
    %broadcast_in_dim3A = vector.shape_cast %rsqrt3A : vector<640xf32> to vector<640x1xf32>
    %mul3A_20 = vector.broadcast %broadcast_in_dim3A : vector<640x1xf32> to vector<640x256xf32>
    %mul3A_21 = arith.mulf %concatenate3A, %mul3A_20 : vector<640x256xf32>
    %get3A_22 = arith.constant 0 : index
    %get3A_23 = arith.constant 0 : index
    %get3A_24 = vector.load %arg3[%get3A_22, %get3A_23] : memref<256x512xf32, #tpu.memory_space<vmem>>, vector<256x512xf32>
    %dot_general3A = arith.constant dense<0.000000e+00> : vector<640x512xf32>
    %dot_general3A_25 = tpu.matmul %mul3A_21, %get3A_24, %dot_general3A {dimension_numbers = #tpu.dot_dimension_numbers<[1], [0], [0], [1], [0, 0, 1, 1], [], []>, transpose_lhs_hint = false} : vector<640x256xf32>, vector<256x512xf32>, vector<640x512xf32> -> vector<640x512xf32>
    %get3A_26 = arith.constant 0 : index
    %get3A_27 = arith.constant 0 : index
    %get3A_28 = vector.load %arg4[%get3A_26, %get3A_27] : memref<1x512xf32, #tpu.memory_space<vmem>>, vector<1x512xf32>
    %add3A_29 = vector.broadcast %get3A_28 : vector<1x512xf32> to vector<640x512xf32>
    %add3A_30 = arith.addf %dot_general3A_25, %add3A_29 : vector<640x512xf32>
    %max3A = arith.constant 0.000000e+00 : f32
    %max3A_31 = vector.broadcast %max3A : f32 to vector<640x512xf32>
    %max3A_32 = arith.maximumf %add3A_30, %max3A_31 : vector<640x512xf32>
    %get3A_33 = arith.constant 0 : index
    %get3A_34 = arith.constant 0 : index
    %get3A_35 = vector.load %arg5[%get3A_33, %get3A_34] : memref<512x256xf32, #tpu.memory_space<vmem>>, vector<512x256xf32>
    %dot_general3A_36 = arith.constant dense<0.000000e+00> : vector<640x256xf32>
    %dot_general3A_37 = tpu.matmul %max3A_32, %get3A_35, %dot_general3A_36 {dimension_numbers = #tpu.dot_dimension_numbers<[1], [0], [0], [1], [0, 0, 1, 1], [], []>, transpose_lhs_hint = false} : vector<640x512xf32>, vector<512x256xf32>, vector<640x256xf32> -> vector<640x256xf32>
    %broadcast_in_dim3A_38 = vector.shape_cast %rsqrt3A : vector<640xf32> to vector<640x1xf32>
    %mul3A_39 = vector.broadcast %broadcast_in_dim3A_38 : vector<640x1xf32> to vector<640x256xf32>
    %mul3A_40 = arith.mulf %dot_general3A_37, %mul3A_39 : vector<640x256xf32>
    %slice3A_41 = vector.extract_strided_slice %mul3A_40 {offsets = [0, 0], sizes = [640, 128], strides = [1, 1]} : vector<640x256xf32> to vector<640x128xf32>
    %swap3A = arith.constant 0 : index
    %swap3A_42 = arith.constant 0 : index
    %swap3A_43 = arith.constant 0 : index
    %swap3A_44 = vector.load %arg6[%swap3A, %swap3A_42, %swap3A_43] : memref<2x640x128xf32, #tpu.memory_space<vmem>>, vector<1x640x128xf32>
    %swap3A_45 = vector.shape_cast %swap3A_44 : vector<1x640x128xf32> to vector<640x128xf32>
    %swap3A_46 = vector.shape_cast %slice3A_41 : vector<640x128xf32> to vector<1x640x128xf32>
    tpu.vector_store %arg6[%swap3A, %swap3A_42, %swap3A_43], %swap3A_46 {strides = array<i32>} : memref<2x640x128xf32, #tpu.memory_space<vmem>>, vector<1x640x128xf32>,
    %slice3A_47 = vector.extract_strided_slice %mul3A_40 {offsets = [0, 128], sizes = [640, 128], strides = [1, 1]} : vector<640x256xf32> to vector<640x128xf32>
    %swap3A_48 = arith.constant 1 : index
    %swap3A_49 = arith.constant 0 : index
    %swap3A_50 = arith.constant 0 : index
    %swap3A_51 = vector.load %arg6[%swap3A_48, %swap3A_49, %swap3A_50] : memref<2x640x128xf32, #tpu.memory_space<vmem>>, vector<1x640x128xf32>
    %swap3A_52 = vector.shape_cast %swap3A_51 : vector<1x640x128xf32> to vector<640x128xf32>
    %swap3A_53 = vector.shape_cast %slice3A_47 : vector<640x128xf32> to vector<1x640x128xf32>
    tpu.vector_store %arg6[%swap3A_48, %swap3A_49, %swap3A_50], %swap3A_53 {strides = array<i32>} : memref<2x640x128xf32, #tpu.memory_space<vmem>>, vector<1x640x128xf32>,
    return
  }
  func.func @transform_0(%arg0: i32) -> (i32, i32, i32) {
    %c0_i32 = arith.constant 0 : i32
    %c0_i32_0 = arith.constant 0 : i32
    %c0_i32_1 = arith.constant 0 : i32
    return %c0_i32, %arg0, %c0_i32_0 : i32, i32, i32
  }
  func.func @transform_1(%arg0: i32) -> (i32, i32, i32) {
    %c0_i32 = arith.constant 0 : i32
    %c0_i32_0 = arith.constant 0 : i32
    %c0_i32_1 = arith.constant 0 : i32
    %c0_i32_2 = arith.constant 0 : i32
    return %c0_i32, %c0_i32_0, %c0_i32_1 : i32, i32, i32
  }
  func.func @transform_2(%arg0: i32) -> (i32, i32) {
    %c0_i32 = arith.constant 0 : i32
    %c0_i32_0 = arith.constant 0 : i32
    %c0_i32_1 = arith.constant 0 : i32
    return %c0_i32, %c0_i32_0 : i32, i32
  }
  func.func @transform_3(%arg0: i32) -> (i32, i32) {
    %c0_i32 = arith.constant 0 : i32
    %c0_i32_0 = arith.constant 0 : i32
    %c0_i32_1 = arith.constant 0 : i32
    return %c0_i32, %c0_i32_0 : i32, i32
  }
  func.func @transform_4(%arg0: i32) -> (i32, i32) {
    %c0_i32 = arith.constant 0 : i32
    %c0_i32_0 = arith.constant 0 : i32
    %c0_i32_1 = arith.constant 0 : i32
    return %c0_i32, %c0_i32_0 : i32, i32
  }
  func.func @transform_5(%arg0: i32) -> (i32, i32, i32) {
    %c0_i32 = arith.constant 0 : i32
    %c0_i32_0 = arith.constant 0 : i32
    %c0_i32_1 = arith.constant 0 : i32
    return %c0_i32, %arg0, %c0_i32_0 : i32, i32, i32
  }
}

module attributes {stable_mosaic.version = 14 : i64} {
  func.func @_final_body(%arg0: i32, %arg1: memref<2x640x128xf32, #tpu.memory_space<vmem>>, %arg2: memref<2x10240x16xf32, #tpu.memory_space<vmem>>, %arg3: memref<1x256xf32, #tpu.memory_space<vmem>>, %arg4: memref<640x256xf32, #tpu.memory_space<vmem>>) attributes {dimension_semantics = [#tpu.dimension_semantics<arbitrary>], iteration_bounds = array<i64: 16>, scalar_prefetch = 0 : i64, scratch_operands = 0 : i64, tpu.core_type = #tpu.core_type<tc>, window_params = [{transform_indices = @transform_0, window_bounds = array<i64: 2, 640, 128>}, {pipeline_mode = #tpu.pipeline_mode<synchronous>, transform_indices = @transform_1, window_bounds = array<i64: 2, 10240, 16>}, {pipeline_mode = #tpu.pipeline_mode<synchronous>, transform_indices = @transform_2, window_bounds = array<i64: 1, 256>}, {transform_indices = @transform_3, window_bounds = array<i64: 640, 256>}]} {
    %mul3A = arith.constant 640 : i32
    %mul3A_0 = arith.muli %arg0, %mul3A : i32
    %get3A = arith.constant 0 : index
    %get3A_1 = arith.index_cast %mul3A_0 : i32 to index
    %get3A_2 = arith.constant 0 : index
    %get3A_3 = vector.load %arg2[%get3A, %get3A_1, %get3A_2] : memref<2x10240x16xf32, #tpu.memory_space<vmem>>, vector<2x640x1xf32>
    %get3A_4 = vector.shape_cast %get3A_3 : vector<2x640x1xf32> to vector<2x640xf32>
    %slice3A = vector.extract_strided_slice %get3A_4 {offsets = [0, 0], sizes = [1, 640], strides = [1, 1]} : vector<2x640xf32> to vector<1x640xf32>
    %squeeze3A = vector.shape_cast %slice3A : vector<1x640xf32> to vector<640xf32>
    %add3A = arith.constant 1.000000e+00 : f32
    %add3A_5 = vector.broadcast %add3A : f32 to vector<640xf32>
    %add3A_6 = arith.addf %add3A_5, %squeeze3A : vector<640xf32>
    %slice3A_7 = vector.extract_strided_slice %get3A_4 {offsets = [1, 0], sizes = [1, 640], strides = [1, 1]} : vector<2x640xf32> to vector<1x640xf32>
    %squeeze3A_8 = vector.shape_cast %slice3A_7 : vector<1x640xf32> to vector<640xf32>
    %add3A_9 = arith.addf %add3A_6, %squeeze3A_8 : vector<640xf32>
    %rsqrt3A = math.rsqrt %add3A_9 : vector<640xf32>
    %get3A_10 = arith.constant 0 : index
    %get3A_11 = arith.constant 0 : index
    %get3A_12 = arith.constant 0 : index
    %get3A_13 = vector.load %arg1[%get3A_10, %get3A_11, %get3A_12] : memref<2x640x128xf32, #tpu.memory_space<vmem>>, vector<1x640x128xf32>
    %get3A_14 = vector.shape_cast %get3A_13 : vector<1x640x128xf32> to vector<640x128xf32>
    %get3A_15 = arith.constant 1 : index
    %get3A_16 = arith.constant 0 : index
    %get3A_17 = arith.constant 0 : index
    %get3A_18 = vector.load %arg1[%get3A_15, %get3A_16, %get3A_17] : memref<2x640x128xf32, #tpu.memory_space<vmem>>, vector<1x640x128xf32>
    %get3A_19 = vector.shape_cast %get3A_18 : vector<1x640x128xf32> to vector<640x128xf32>
    %concatenate3A = tpu.concatenate %get3A_14, %get3A_19 in 1 : vector<640x128xf32>, vector<640x128xf32> -> vector<640x256xf32>
    %broadcast_in_dim3A = vector.shape_cast %rsqrt3A : vector<640xf32> to vector<640x1xf32>
    %mul3A_20 = vector.broadcast %broadcast_in_dim3A : vector<640x1xf32> to vector<640x256xf32>
    %mul3A_21 = arith.mulf %concatenate3A, %mul3A_20 : vector<640x256xf32>
    %get3A_22 = arith.constant 0 : index
    %get3A_23 = arith.constant 0 : index
    %get3A_24 = vector.load %arg3[%get3A_22, %get3A_23] : memref<1x256xf32, #tpu.memory_space<vmem>>, vector<1x256xf32>
    %add3A_25 = vector.broadcast %get3A_24 : vector<1x256xf32> to vector<640x256xf32>
    %add3A_26 = arith.addf %mul3A_21, %add3A_25 : vector<640x256xf32>
    %swap3A = arith.constant 0 : index
    %swap3A_27 = arith.constant 0 : index
    %swap3A_28 = vector.load %arg4[%swap3A, %swap3A_27] : memref<640x256xf32, #tpu.memory_space<vmem>>, vector<640x256xf32>
    tpu.vector_store %arg4[%swap3A, %swap3A_27], %add3A_26 {strides = array<i32>} : memref<640x256xf32, #tpu.memory_space<vmem>>, vector<640x256xf32>,
    return
  }
  func.func @transform_0(%arg0: i32) -> (i32, i32, i32) {
    %c0_i32 = arith.constant 0 : i32
    %c0_i32_0 = arith.constant 0 : i32
    %c0_i32_1 = arith.constant 0 : i32
    return %c0_i32, %arg0, %c0_i32_0 : i32, i32, i32
  }
  func.func @transform_1(%arg0: i32) -> (i32, i32, i32) {
    %c0_i32 = arith.constant 0 : i32
    %c0_i32_0 = arith.constant 0 : i32
    %c0_i32_1 = arith.constant 0 : i32
    %c0_i32_2 = arith.constant 0 : i32
    return %c0_i32, %c0_i32_0, %c0_i32_1 : i32, i32, i32
  }
  func.func @transform_2(%arg0: i32) -> (i32, i32) {
    %c0_i32 = arith.constant 0 : i32
    %c0_i32_0 = arith.constant 0 : i32
    %c0_i32_1 = arith.constant 0 : i32
    return %c0_i32, %c0_i32_0 : i32, i32
  }
  func.func @transform_3(%arg0: i32) -> (i32, i32) {
    %c0_i32 = arith.constant 0 : i32
    %c0_i32_0 = arith.constant 0 : i32
    return %arg0, %c0_i32 : i32, i32
  }
}

</mosaic_0001>

<sc_bundles>
// kernel: kernel.11.cloned.1.call-start
scs
__scs_entry_jumppad:
0x0: {  	(pc) =	sbr.rel $0x88, $3  }
0x1: {  	(tag) =	ssettag $0x0;
	lr =	simm.s32 $0x1  }
0x2: {  	[smem:$0x3F9B] =	sst lr;
	_ =	strace $0xD0000000  }
0x3: {  	_ = 	snop  }
0x4: {  	_ = 	snop  }
0x5: {  	_ = 	snop  }
0x6: {  	_ = 	snop  }
0x7: {  	_ = 	snop  }
__scs_overlays_trampoline_lowered:
0x8: {  	[smem:$0x3FAA] =	sst s0  }
0x9: {  	[smem:$0x3FAB] =	sst s1  }
0xa: {  	[smem:$0x3FAC] =	sst s2  }
0xb: {  	[smem:$0x3FAD] =	sst s3  }
0xc: {  	[smem:$0x3FAE] =	sst s4  }
0xd: {  	[smem:$0x3FAF] =	sst s5  }
0xe: {  	[smem:$0x3FB0] =	sst s6  }
0xf: {  	[smem:$0x3FB1] =	sst s7  }
0x10: {  	[smem:$0x3FB2] =	sst s8  }
0x11: {  	[smem:$0x3FB3] =	sst s9;
	s0 =	simm.s32 @!p0 $0x0  }
0x12: {  	s1 =	sld [smem:$0x3F99];
	s0 =	simm.s32 @p0 $0x1  }
0x13: {  	[smem:$0x3FB4] =	sst s0;
	s0 =	simm.s32 @!p1 $0x0  }
0x14: {  	s2 =	sld [smem:$0x3F98];
	s0 =	simm.s32 @p1 $0x1  }
0x15: {  	[smem:$0x3FB5] =	sst s0;
	s0 =	simm.s32 @!p2 $0x0  }
0x16: {  	s3 =	sld [smem:$0x3FDB];
	s0 =	simm.s32 @p2 $0x1  }
0x17: {  	s4 =	simm.s32 $0x1BF5;
	[smem:$0x3FB7] =	sst s0  }
0x18: {  	s0 =	sld [smem:$0x3F9A];
	_ =	swait.ge [sflag:s4], $0x0  }
0x19: {  	s7 =	sld [smem:$0x3F9B]  }
0x1a: {  	s8 =	sadd.s32 $0xFFFFE003, lr  }
0x1b: {  	s9 =	sadd.s32 $0xFFFFFEF7, lr;
	s5 =	simm.s32 $0xFFFFFFFF;
	p2 =	slt.u32 s8, $0xFFFFF086  }
0x1c: {  	p1 =	slt.u32 s9, $0xF7A;
	s5 =	simm.s32 @!p2 $0x0  }
0x1d: {  	s5 =	simm.s32 @p1 $0x1;
	p0 =	seq.s32 s7, s2  }
0x1e: {  	s7 =	smul.u32 @!p0 $0xF7A, s2;
	p2 =	seq.s32 @!p0 s5, $0x0  }
0x1f: {  	s9 =	smul.u32 $0xF7A, s1;
	s8 =	simm.s32 @!p0 $0x1BF5;
	p2 =	por !p2, p0  }
0x20: {  	[sflag:s8] =	ssyncset.s32 @!p0 $0xFFFFF086;
	s6 =	sadd.s32 @!p0 s3, s7;
	s7 =	simm.s32 @!p0 $0x108  }
0x21: {  	s3 =	sadd.s32 s3, s9;
	s6 =	sadd.s32 @!p0 $0x88, s6;
	s7 =	simm.s32 @p2 $0x1082  }
0x22: {  	[simem:s7], [sflag:s8] =	dma.local @!p0 [hbm:s6], $0xF7A  }
0x23: {  	s9 =	sor.u32 $0xD0000000, s2;
	s6 =	simm.s32 $0x108;
	_ =	swait.ge @!p0 [sflag:s8], $0x0  }
0x24: {  	s3 =	sadd.s32 $0x88, s3;
	s6 =	simm.s32 @!p1 $0x1082;
	[sflag:s4] =	ssyncset.s32 $0xFFFFF086  }
0x25: {  	[simem:s6], [sflag:s4] =	dma.local [hbm:s3], $0xF7A  }
0x26: {  	[smem:$0x3F9B] =	sst s1;
	(tag) =	ssettag s2;
	_ =	strace s9  }
0x27: {  	s1 =	sld [smem:$0x3FAB]  }
0x28: {  	s2 =	sld [smem:$0x3FAC]  }
0x29: {  	s4 =	sld [smem:$0x3FAE]  }
0x2a: {  	p0 =	seq.s32 s5, $0x0;
	s5 =	sld [smem:$0x3FAF]  }
0x2b: {  	s6 =	sld [smem:$0x3FB0]  }
0x2c: {  	s7 =	sld [smem:$0x3FB1]  }
0x2d: {  	s3 =	simm.s32 $0x108;
	s8 =	sld [smem:$0x3FB2]  }
0x2e: {  	s3 =	simm.s32 @!p0 $0x1082;
	s9 =	sld [smem:$0x3FB3]  }
0x2f: {  	lr =	sadd.s32 s0, s3;
	s0 =	sld [smem:$0x3FAA]  }
0x30: {  	s3 =	sld [smem:$0x3FAD]  }
0x31: {  	[smem:$0x3FB6] =	sst s10  }
0x32: {  	s10 =	sld [smem:$0x3FB4];
	_ =	sdelay $0x3  }
0x33: {  	p0 =	seq.s32 s10, $0x1;
	s10 =	sld [smem:$0x3FB6];
	_ =	sdelay $0x3  }
0x34: {  	[smem:$0x3FB6] =	sst s10  }
0x35: {  	s10 =	sld [smem:$0x3FB5];
	_ =	sdelay $0x3  }
0x36: {  	p1 =	seq.s32 s10, $0x1;
	s10 =	sld [smem:$0x3FB6];
	_ =	sdelay $0x3  }
0x37: {  	[smem:$0x3FB6] =	sst s10  }
0x38: {  	s10 =	sld [smem:$0x3FB7]  }
0x39: {  	_ = 	snop;
	(pc) =	sbr.ind lr, $3  }
0x3a: {  	_ = 	snop  }
0x3b: {  	_ = 	snop  }
0x3c: {  	p2 =	seq.s32 s10, $0x1;
	s10 =	sld [smem:$0x3FB6]  }
0x3d: {  	_ =	shalt  }
0x3e: {  	_ =	shalt  }
0x3f: {  	_ =	shalt  }
0x40: {  	_ =	shalt  }
0x41: {  	_ =	shalt  }
0x42: {  	_ =	shalt  }
0x43: {  	_ =	shalt  }
0x44: {  	_ =	shalt  }
0x45: {  	_ =	shalt  }
0x46: {  	_ =	shalt  }
0x47: {  	_ =	shalt  }
0x48: {  	_ =	shalt  }
0x49: {  	_ =	shalt  }
0x4a: {  	_ =	shalt  }
0x4b: {  	_ =	shalt  }
0x4c: {  	_ =	shalt  }
0x4d: {  	_ =	shalt  }
0x4e: {  	_ =	shalt  }
0x4f: {  	_ =	shalt  }
0x50: {  	_ =	shalt  }
0x51: {  	_ =	shalt  }
0x52: {  	_ =	shalt  }
0x53: {  	_ =	shalt  }
0x54: {  	_ =	shalt  }
0x55: {  	_ =	shalt  }
0x56: {  	_ =	shalt  }
0x57: {  	_ =	shalt  }
0x58: {  	_ =	shalt  }
0x59: {  	_ =	shalt  }
0x5a: {  	_ =	shalt  }
0x5b: {  	_ =	shalt  }
0x5c: {  	_ =	shalt  }
0x5d: {  	_ =	shalt  }
0x5e: {  	_ =	shalt  }
0x5f: {  	_ =	shalt  }
0x60: {  	_ =	shalt  }
0x61: {  	_ =	shalt  }
0x62: {  	_ =	shalt  }
0x63: {  	_ =	shalt  }
0x64: {  	_ =	shalt  }
0x65: {  	_ =	shalt  }
0x66: {  	_ =	shalt  }
0x67: {  	_ =	shalt  }
0x68: {  	_ =	shalt  }
0x69: {  	_ =	shalt  }
0x6a: {  	_ =	shalt  }
0x6b: {  	_ =	shalt  }
0x6c: {  	_ =	shalt  }
0x6d: {  	_ =	shalt  }
0x6e: {  	_ =	shalt  }
0x6f: {  	_ =	shalt  }
0x70: {  	_ =	shalt  }
0x71: {  	_ =	shalt  }
0x72: {  	_ =	shalt  }
0x73: {  	_ =	shalt  }
0x74: {  	_ =	shalt  }
0x75: {  	_ =	shalt  }
0x76: {  	_ =	shalt  }
0x77: {  	_ =	shalt  }
0x78: {  	_ =	shalt  }
0x79: {  	_ =	shalt  }
0x7a: {  	_ =	shalt  }
0x7b: {  	_ =	shalt  }
0x7c: {  	_ =	shalt  }
0x7d: {  	_ =	shalt  }
0x7e: {  	_ =	shalt  }
0x7f: {  	_ =	shalt  }
0x80: {  	_ =	shalt  }
0x81: {  	_ =	shalt  }
0x82: {  	_ =	shalt  }
0x83: {  	_ =	shalt  }
0x84: {  	_ =	shalt  }
0x85: {  	_ =	shalt  }
0x86: {  	_ =	shalt  }
0x87: {  	_ =	shalt  }
.Lfunc_end0:
.L_simem_size_0:
called_computation.1_lowered:
.L_overlay_start_0:
0x88: {  	s2 =	sld [smem:$0x3FD9]  }
0x89: {  	s3 =	sld [smem:$0x3FFE];
	_ =	sdelay $0x1  }
0x8a: {  	s1 =	srdreg.scid  }
0x8b: {  	s0 =	sand.u32 $0x1, s1  }
0x8c: {  	s17 =	sshll.u32 s0, $0xA;
	s2 =	sadd.s32 s3, s2  }
0x8d: {  	s2 =	sadd.s32 s2, s17  }
0x8e: {  	[smem:$0x3FC2] =	sst s2  }
0x8f: {  	_ = 	snop  }
0x90: {  	s2 =	sld [smem:$0x3FD0];
	(tm) =	ssettm $0x1  }
0x91: {  	s18 =	sld [smem:$0x3FFB];
	_ =	sdelay $0x3  }
0x92: {  	_ =	strace s18  }
0x93: {  	s3 =	sld [smem:$0x3FFC];
	_ =	sdelay $0x3  }
0x94: {  	_ =	strace s3  }
0x95: {  	s3 =	sld [smem:$0x3FFD];
	_ =	sdelay $0x3  }
0x96: {  	_ =	strace s3  }
0x97: {  	_ =	strace $0x8FFFFFFF  }
0x98: {  	s19 =	sld [smem:$0x3FDB];
	_ =	sdelay $0x1  }
0x99: {  	s4 =	simm.s32 $_scs_section_size  }
0x9a: {  	s5 =	simm.s32 $_size__tile_overlayer_lowered;
	s6 =	simm.s32 $_tile_overlayer_lowered  }
0x9b: {  	s22 =	simm.s32 $0x1BFF;
	s21 =	sshll.u32 s6, $0x1;
	s3 =	sadd.s32 s4, s19  }
0x9c: {  	s7 =	simm.s32 $0x0;
	s20 =	sshll.u32 s5, $0x1;
	s5 =	sadd.s32 s21, s3  }
0x9d: {  	[timem:s7], [sflag:s22] =	dma.local [hbm:s5], s20  }
0x9e: {  	_ =	swait.ge [sflag:s22], s20  }
0x9f: {  	s4 =	ssub.s32 $0x0, s20;
	[sflag:s22] =	ssyncset.done $0x0  }
0xa0: {  	[sflag:s22] =	ssyncadd.s32 s4;
	_ =	sdelay $0x1  }
0xa1: {  	s23 =	simm.s32 $0x1B8B  }
0xa2: {  	_ =	swait.ge [sflag:s23], $0x1  }
0xa3: {  	[sflag:s23] =	ssyncset.done $0x0  }
0xa4: {  	s25 =	simm.s32 $0x1B8E;
	s24 =	sld [smem:$0x3FFE];
	[sflag:s23] =	ssyncadd.s32 $0xFFFFFFFF  }
0xa5: {  	s26 =	simm.s32 $execute0_lowered;
	[smem:$0x3FD2] =	sst s25  }
0xa6: {  	s5 =	sshll.u32 s26, $0x1;
	_ =	strace $0x80000049;
	[dreg:$0x1] =	wrdreg $0xFFFFFFFF  }
0xa7: {  	s28 =	simm.s32 $_size_execute0_lowered;
	s3 =	sadd.s32 s3, s5;
	[dreg:$0x0] =	wrdreg $0x0  }
0xa8: {  	s5 =	sshll.u32 s28, $0x1;
	[dreg:$0x2] =	wrdreg s3  }
0xa9: {  	[dreg:$0x3] =	wrdreg s5  }
0xaa: {  	[dreg:$0x4] =	wrdreg $0xC0  }
0xab: {  	_ =	task [dreg:s7], $0x5FFFF  }
0xac: {  	[dreg:$0x1] =	wrdreg $0xFFFFFFFF  }
0xad: {  	[dreg:$0x0] =	wrdreg $0x60  }
0xae: {  	[dreg:$0x2] =	wrdreg s24  }
0xaf: {  	[dreg:$0x3] =	wrdreg s2  }
0xb0: {  	[dreg:$0x4] =	wrdreg $0x0  }
0xb1: {  	[dreg:$0x5] =	wrdreg $0x9  }
0xb2: {  	_ =	task.clear_ibuf [dreg:s7], $0x6FFFF;
	_ =	strace $0x90000049  }
0xb3: {  	s29 =	simm.s32 $0x9;
	_ =	strace $0x8000004B  }
0xb4: {  	_ =	swait.ge [sflag:s29], $0x1  }
0xb5: {  	[sflag:s29] =	ssyncadd.s32 $0xFFFFFFFF  }
0xb6: {  	_ =	strace $0x9000004B  }
0xb7: {  	_ =	sfence  }
0xb8: {  	s30 =	sld [smem:$0x0];
	_ =	sdelay $0x2  }
0xb9: {  	s31 =	sshll.u32 s1, $0xD;
	s1 =	sshrl.u32 s1, $0x2  }
0xba: {  	s3 =	sand.u32 $0x4000, s31;
	s1 =	sadd.s32 s1, s30  }
0xbb: {  	s0 =	sor.u32 s3, s0;
	s1 =	sshll.u32 s1, $0x11  }
0xbc: {  	s0 =	sor.u32 s1, s0  }
0xbd: {  	s0 =	sadd.s32 $0x8F2B, s0  }
0xbe: {  	[sflag:s0] =	ssyncadd.remote.s32 $0x1  }
0xbf: {  	_ =	sfence.sel $0xFFFF  }
0xc0: {  	[dreg:$0x0] =	wrdreg $0xFFFFFFFF;
	(pc) =	sbr.abs _section_cstart, $3  }
0xc1: {  	[dreg:$0x1] =	wrdreg $0xFFFFFFFF  }
0xc2: {  	_ =	task.clear_ibuf [dreg:s7], $0x2FFFF;
	_ =	strace $0x9FFFFFFF  }
0xc3: {  	(tm) =	ssettm $0x7FFFFFFF  }
tec
execute0_lowered:
.L_overlay_start_1:
0x0: {  	(tag) =	ssettag $0x1  }
0x1: {  	s6 =	rddreg [dreg:$0x0]  }
0x2: {  	s2 =	rddreg [dreg:$0x1];
	s0 =	stileid.u32  }
0x3: {  	s1 =	srdreg.scid;
	s3 =	rddreg [dreg:$0x2]  }
0x4: {  	s4 =	simm.s32 $0x0;
	s15 =	simm.s32 $0x80;
	s16 =	simm.s32 $0x17000  }
0x5: {  	s17 =	simm.s32 $0x1B000;
	s18 =	simm.s32 $0x1;
	s7 =	smul.u32 $0x2800, s0  }
0x6: {  	s8 =	sand.u32 $0x1, s1;
	s1 =	rddreg [dreg:$0x3];
	s10 =	smul.u32 $0x14000, s0  }
0x7: {  	s19 =	simm.s32 $0x0;
	[smem:$0x7FF] =	sst s4;
	s30 =	smul.u32 $0x50000, s0  }
0x8: {  	s5 =	sadd.s32 $0x57000, s6;
	s13 =	sshll.u32 s0, $0x6;
	s9 =	smul.u32 $0x140000, s8  }
0x9: {  	_ =	strace $0x8000004A;
	s12 =	ssub.s32 $0x2, s8;
	s8 =	smul.u32 $0x28000, s8  }
0xa: {  	s13 =	sor.u32 $0x1C02, s13;
	s11 =	sshrl.u32 s7, $0x3;
	s31 =	sshrl.u32 s12, $0x1  }
0xb: {  	s9 =	sadd.s32 s10, s9;
	s11 =	sadd.s32 s11, s6;
	s10 =	sshrl.u32 s30, $0x2  }
0xc: {  	s12 =	ssub.s32 s12, s31;
	s9 =	sshrl.u32 s9, $0x3;
	s14 =	sadd.s32 s10, s3  }
0xd: {  	s10 =	smax.u32 s12, $0x1;
	s12 =	simm.s32 $0x2;
	s9 =	sadd.s32 s9, s6  }
0xe: {  	s6 =	sadd.s32 s7, s8;
	s7 =	sadd.s32 $0x2000, s11;
	s11 =	simm.s32 $0x14800  }
0xf: {  	s14 =	sshrl.u32 s14, $0x3;
	s8 =	sadd.s32 s5, s6;
	s9 =	sadd.s32 $0xA7000, s9  }
.LBB2_1:
0x10: {  	[tilespmem:s11], [sflag:$0x2] =	stream.linear.gather [hbm4b:s7+s4], $0x2800, $0x38;
	[tilespmem:$0x1F000] =	vst v63  }
0x11: {  	_ =	swait.ge [sflag:s12], $0x2800  }
0x12: {  	[sflag:s12] =	ssyncset.done $0x0  }
0x13: {  	[sflag:s12] =	ssyncadd.s32 $0xFFFFD800  }
0x14: {  	[spmem:s14], [sflag:s13] =	dma.local [hbm:s8], $0x2800  }
0x15: {  	p0 =	por $0x0, $0x0;
	_ =	swait.ge [sflag:s12], $0x2800  }
0x16: {  	s20 =	sadd.s32 @!p0 $0x0, s6;
	s21 =	simm.s32 @!p0 $0x14000;
	[sflag:s12] =	ssyncset.done $0x0  }
0x17: {  	s22 =	simm.s32 @!p0 $0x2;
	s20 =	sshrl.u32 @!p0 s20, $0x3;
	[sflag:s12] =	ssyncadd.s32 $0xFFFFD800  }
0x18: {  	s23 =	simm.s32 @!p0 $0x0;
	s20 =	sadd.s32 @!p0 s2, s20;
	[bflag:$0x0] =	sbarrier.arrive $0xFFFF  }
0x19: {  	[tilespmem:s21], [sflag:$0x2] =	stream.linear.gather @!p0 [hbm4b:s20+s23], $0x800, $0x38;
	[tilespmem:$0x1F000] =	vst v63  }
0x1a: {  	_ =	swait.ge @!p0 [sflag:s22], $0x800  }
0x1b: {  	[sflag:s22] =	ssyncset.done @!p0 $0x0  }
0x1c: {  	s29 =	simm.s32 $0x14000;
	[sflag:s22] =	ssyncadd.s32 @!p0 $0xFFFFF800  }
0x1d: {  	[tilespmem:s16], [sflag:$0x1] =	stream.indirect.gather [hbm4b:s5+s15], $0x80, s29, s15, $0xb8;
	[tilespmem:$0x1F000] =	vst v63  }
0x1e: {  	s30 =	simm.s32 $0x14080  }
0x1f: {  	[tilespmem:s17], [sflag:$0x1] =	stream.indirect.gather [hbm4b:s5+s15], $0x80, s30, s15, $0xb8;
	[tilespmem:$0x1F000] =	vst v63  }
0x20: {  	_ =	swait.ge [sflag:s18], $0x4000  }
0x21: {  	[sflag:s18] =	ssyncset.done $0x0  }
0x22: {  	s31 =	simm.s32 $0x14800;
	[sflag:s18] =	ssyncadd.s32 $0xFFFFC000  }
0x23: {  	[spmem:s3] =	stream.indirect.scatter.add.f32 [tilespmem:s16], [sflag:$0x2], $0x80, s31, s15, $0xb8;
	[tilespmem:$0x1F000] =	vst v63  }
0x24: {  	_ =	swait.ge [sflag:s12], $0x4000  }
0x25: {  	s24 =	simm.s32 $0x14880;
	[sflag:s12] =	ssyncset.done $0x0  }
0x26: {  	s25 =	simm.s32 $0x0;
	s21 =	simm.s32 $0x14100;
	[sflag:s12] =	ssyncadd.s32 $0xFFFFC000  }
0x27: {  	s23 =	simm.s32 $0x2;
	p0 =	por $0x1, $0x1;
	_ =	swait.ge [sflag:s18], $0x4000  }
0x28: {  	s22 =	simm.s32 $0x2;
	s20 =	sadd.s32 @!p0 $0x0, s6;
	[sflag:s18] =	ssyncset.done $0x0  }
0x29: {  	s26 =	sshrl.u32 @!p0 s20, $0x3;
	s20 =	simm.s32 $0x14980;
	[sflag:s18] =	ssyncadd.s32 $0xFFFFC000  }
.LBB2_2:
0x2a: {  	[spmem:s3] =	stream.indirect.scatter.add.f32 [tilespmem:s17], [sflag:$0x2], $0x80, s24, s15, $0xb8;
	[tilespmem:$0x1F000] =	vst v63  }
0x2b: {  	s28 =	smov.u32 s22;
	s22 =	sadd.s32 $0x1, s22;
	_ =	swait.ge [sflag:s12], $0x4000  }
0x2c: {  	s24 =	simm.s32 @!p0 $0x14000;
	s29 =	simm.s32 @!p0 $0x2;
	[sflag:s12] =	ssyncset.done $0x0  }
0x2d: {  	s26 =	sadd.s32 @!p0 s2, s26;
	s30 =	simm.s32 @!p0 $0x0;
	[sflag:s12] =	ssyncadd.s32 $0xFFFFC000  }
0x2e: {  	[tilespmem:s24], [sflag:$0x2] =	stream.linear.gather @!p0 [hbm4b:s26+s30], $0x800, $0x38;
	[tilespmem:$0x1F000] =	vst v63  }
0x2f: {  	p1 =	sne.s32 s22, $0x28;
	s24 =	smov.u32 s20;
	_ =	swait.ge @!p0 [sflag:s29], $0x800  }
0x30: {  	[sflag:s29] =	ssyncset.done @!p0 $0x0  }
0x31: {  	s25 =	sadd.s32 s25, s21;
	[sflag:s29] =	ssyncadd.s32 @!p0 $0xFFFFF800  }
0x32: {  	[tilespmem:s16], [sflag:$0x1] =	stream.indirect.gather [hbm4b:s5+s15], $0x80, s25, s15, $0xb8;
	[tilespmem:$0x1F000] =	vst v63  }
0x33: {  	s25 =	sadd.s32 $0x80, s25  }
0x34: {  	[tilespmem:s17], [sflag:$0x1] =	stream.indirect.gather [hbm4b:s5+s15], $0x80, s25, s15, $0xb8;
	[tilespmem:$0x1F000] =	vst v63  }
0x35: {  	_ =	swait.ge [sflag:s18], $0x4000  }
0x36: {  	[sflag:s18] =	ssyncset.done $0x0  }
0x37: {  	s21 =	sadd.s32 $0x100, s21;
	s25 =	sadd.s32 $0xFFFFFF80, s20;
	[sflag:s18] =	ssyncadd.s32 $0xFFFFC000  }
0x38: {  	[spmem:s3] =	stream.indirect.scatter.add.f32 [tilespmem:s16], [sflag:$0x2], $0x80, s25, s15, $0xb8;
	[tilespmem:$0x1F000] =	vst v63  }
0x39: {  	s23 =	sadd.s32 $0x2, s23;
	s25 =	sshrl.u32 s28, $0x3;
	_ =	swait.ge [sflag:s12], $0x4000  }
.Ltmp0:
0x3a: {  	s26 =	sshll.u32 s25, $0x4;
	[sflag:s12] =	ssyncset.done $0x0;
	(pc) =	sbr.rel @p1 .LBB2_2-.Ltmp0, $4  }
0x3b: {  	s28 =	sshll.u32 s25, $0xD;
	p0 =	sne.s32 s23, s26;
	[sflag:s12] =	ssyncadd.s32 $0xFFFFC000  }
0x3c: {  	s26 =	ssub.s32 $0x0, s28;
	s28 =	sshll.u32 @!p0 s25, $0xB;
	_ =	swait.ge [sflag:s18], $0x4000  }
0x3d: {  	s25 =	sshra.s32 s26, $0x2;
	s26 =	sadd.s32 @!p0 s28, s6;
	[sflag:s18] =	ssyncset.done $0x0  }
0x3e: {  	s20 =	sadd.s32 $0x100, s20;
	s26 =	sshrl.u32 @!p0 s26, $0x3;
	[sflag:s18] =	ssyncadd.s32 $0xFFFFC000  }
0x3f: {  	[spmem:s3] =	stream.indirect.scatter.add.f32 [tilespmem:s17], [sflag:$0x2], $0x80, s24, s15, $0xb8;
	[tilespmem:$0x1F000] =	vst v63  }
0x40: {  	_ =	swait.ge [sflag:s12], $0x4000  }
0x41: {  	s22 =	simm.s32 @!p0 $0x14000;
	s23 =	simm.s32 @!p0 $0x2;
	[sflag:s12] =	ssyncset.done $0x0  }
0x42: {  	s24 =	sadd.s32 @!p0 s2, s26;
	s26 =	simm.s32 @!p0 $0x0;
	[sflag:s12] =	ssyncadd.s32 $0xFFFFC000  }
0x43: {  	[tilespmem:s22], [sflag:$0x2] =	stream.linear.gather @!p0 [hbm4b:s24+s26], $0x800, $0x38;
	[tilespmem:$0x1F000] =	vst v63  }
0x44: {  	_ =	swait.ge @!p0 [sflag:s23], $0x800  }
0x45: {  	[sflag:s23] =	ssyncset.done @!p0 $0x0  }
0x46: {  	s21 =	sadd.s32 s25, s21;
	[sflag:s23] =	ssyncadd.s32 @!p0 $0xFFFFF800  }
0x47: {  	[tilespmem:s16], [sflag:$0x1] =	stream.indirect.gather [hbm4b:s5+s15], $0x80, s21, s15, $0xb8;
	[tilespmem:$0x1F000] =	vst v63  }
0x48: {  	s21 =	sadd.s32 $0x80, s21  }
0x49: {  	[tilespmem:s17], [sflag:$0x1] =	stream.indirect.gather [hbm4b:s5+s15], $0x80, s21, s15, $0xb8;
	[tilespmem:$0x1F000] =	vst v63  }
0x4a: {  	_ =	swait.ge [sflag:s18], $0x4000  }
0x4b: {  	[sflag:s18] =	ssyncset.done $0x0  }
0x4c: {  	s31 =	sadd.s32 $0xFFFFFF80, s20;
	[sflag:s18] =	ssyncadd.s32 $0xFFFFC000  }
0x4d: {  	[spmem:s3] =	stream.indirect.scatter.add.f32 [tilespmem:s16], [sflag:$0x2], $0x80, s31, s15, $0xb8;
	[tilespmem:$0x1F000] =	vst v63  }
0x4e: {  	_ =	swait.ge [sflag:s12], $0x4000  }
0x4f: {  	[sflag:s12] =	ssyncset.done $0x0  }
0x50: {  	[sflag:s12] =	ssyncadd.s32 $0xFFFFC000  }
0x51: {  	_ =	swait.ge [sflag:s18], $0x4000  }
0x52: {  	[sflag:s18] =	ssyncset.done $0x0  }
0x53: {  	[sflag:s18] =	ssyncadd.s32 $0xFFFFC000  }
0x54: {  	[spmem:s3] =	stream.indirect.scatter.add.f32 [tilespmem:s17], [sflag:$0x2], $0x80, s20, s15, $0xb8;
	[tilespmem:$0x1F000] =	vst v63  }
0x55: {  	_ =	swait.ge [sflag:s12], $0x4000  }
0x56: {  	s19 =	sadd.s32 $0x1, s19;
	[sflag:s12] =	ssyncset.done $0x0  }
0x57: {  	p0 =	sne.s32 s19, s10;
	[sflag:s12] =	ssyncadd.s32 $0xFFFFC000  }
.Ltmp1:
0x58: {  	[bflag:$0x0] =	sbarrier.arrive $0xFFFF;
	(pc) =	sbr.rel @p0 .LBB2_1-.Ltmp1, $4  }
0x59: {  	[hbm:s9], [sflag:s13] =	dma.local [spmem:s14], $0x2800  }
0x5a: {  	_ =	swait.ge [sflag:s12], $0x2800  }
0x5b: {  	[sflag:s12] =	ssyncset.done $0x0  }
0x5c: {  	[sflag:s12] =	ssyncadd.s32 $0xFFFFD800  }
0x5d: {  	_ =	sfence.sel $0x180000  }
0x5e: {  	[bflag:$0x0] =	sbarrier.arrive $0xFFFF  }
0x5f: {  	p0 =	sne.s32 s0, $0x0;
	_ =	strace $0x9000004A  }
0x60: {  	s0 =	sadd.s32 @!p0 $0x100000, s1;
	[bflag:$0x2] =	sbarrier.arrive $0xFFFF  }
0x61: {  	[sflag:s0] =	ssyncadd.tile.s32 @!p0 $0x1;
	_ =	shalt  }
.Lfunc_end2:
_tile_overlayer_lowered:
.L_overlay_start_2:
0x62: {  	(tag) =	ssettag $0x2  }
0x63: {  	s0 =	rddreg [dreg:$0x0];
	s2 =	stileid.u32  }
0x64: {  	s1 =	rddreg [dreg:$0x1];
	p0 =	sne.s32 s2, $0x0  }
0x65: {  	s3 =	rddreg [dreg:$0x2];
	[bflag:$0x3] =	sbarrier.arrive $0xFFFF;
	s2 =	simm.s32 @!p0 $0x1C02  }
0x66: {  	[timem:s3], [sflag:s2] =	dma.local @!p0 [hbm:s0], s1  }
0x67: {  	s0 =	simm.s32 @!p0 $0x2  }
0x68: {  	_ =	swait.ge @!p0 [sflag:s0], s1  }
0x69: {  	s1 =	ssub.s32 @!p0 $0x0, s1;
	[sflag:s0] =	ssyncset.done @!p0 $0x0  }
0x6a: {  	[sflag:s0] =	ssyncadd.s32 @!p0 s1  }
0x6b: {  	[bflag:$0x3] =	sbarrier.arrive $0xFFFF  }
0x6c: {  	_ =	shalt  }

// kernel: kernel.14.cloned.1.call-start
scs
__scs_entry_jumppad:
0x0: {  	(pc) =	sbr.rel $0x88, $3  }
0x1: {  	(tag) =	ssettag $0x0;
	lr =	simm.s32 $0x1  }
0x2: {  	[smem:$0x3F9B] =	sst lr;
	_ =	strace $0xD0000000  }
0x3: {  	_ = 	snop  }
0x4: {  	_ = 	snop  }
0x5: {  	_ = 	snop  }
0x6: {  	_ = 	snop  }
0x7: {  	_ = 	snop  }
__scs_overlays_trampoline_lowered:
0x8: {  	[smem:$0x3FAA] =	sst s0  }
0x9: {  	[smem:$0x3FAB] =	sst s1  }
0xa: {  	[smem:$0x3FAC] =	sst s2  }
0xb: {  	[smem:$0x3FAD] =	sst s3  }
0xc: {  	[smem:$0x3FAE] =	sst s4  }
0xd: {  	[smem:$0x3FAF] =	sst s5  }
0xe: {  	[smem:$0x3FB0] =	sst s6  }
0xf: {  	[smem:$0x3FB1] =	sst s7  }
0x10: {  	[smem:$0x3FB2] =	sst s8  }
0x11: {  	[smem:$0x3FB3] =	sst s9;
	s0 =	simm.s32 @!p0 $0x0  }
0x12: {  	s1 =	sld [smem:$0x3F99];
	s0 =	simm.s32 @p0 $0x1  }
0x13: {  	[smem:$0x3FB4] =	sst s0;
	s0 =	simm.s32 @!p1 $0x0  }
0x14: {  	s2 =	sld [smem:$0x3F98];
	s0 =	simm.s32 @p1 $0x1  }
0x15: {  	[smem:$0x3FB5] =	sst s0;
	s0 =	simm.s32 @!p2 $0x0  }
0x16: {  	s3 =	sld [smem:$0x3FDB];
	s0 =	simm.s32 @p2 $0x1  }
0x17: {  	s4 =	simm.s32 $0x1BF5;
	[smem:$0x3FB7] =	sst s0  }
0x18: {  	s0 =	sld [smem:$0x3F9A];
	_ =	swait.ge [sflag:s4], $0x0  }
0x19: {  	s7 =	sld [smem:$0x3F9B]  }
0x1a: {  	s8 =	sadd.s32 $0xFFFFE003, lr  }
0x1b: {  	s9 =	sadd.s32 $0xFFFFFEF7, lr;
	s5 =	simm.s32 $0xFFFFFFFF;
	p2 =	slt.u32 s8, $0xFFFFF086  }
0x1c: {  	p1 =	slt.u32 s9, $0xF7A;
	s5 =	simm.s32 @!p2 $0x0  }
0x1d: {  	s5 =	simm.s32 @p1 $0x1;
	p0 =	seq.s32 s7, s2  }
0x1e: {  	s7 =	smul.u32 @!p0 $0xF7A, s2;
	p2 =	seq.s32 @!p0 s5, $0x0  }
0x1f: {  	s9 =	smul.u32 $0xF7A, s1;
	s8 =	simm.s32 @!p0 $0x1BF5;
	p2 =	por !p2, p0  }
0x20: {  	[sflag:s8] =	ssyncset.s32 @!p0 $0xFFFFF086;
	s6 =	sadd.s32 @!p0 s3, s7;
	s7 =	simm.s32 @!p0 $0x108  }
0x21: {  	s3 =	sadd.s32 s3, s9;
	s6 =	sadd.s32 @!p0 $0x88, s6;
	s7 =	simm.s32 @p2 $0x1082  }
0x22: {  	[simem:s7], [sflag:s8] =	dma.local @!p0 [hbm:s6], $0xF7A  }
0x23: {  	s9 =	sor.u32 $0xD0000000, s2;
	s6 =	simm.s32 $0x108;
	_ =	swait.ge @!p0 [sflag:s8], $0x0  }
0x24: {  	s3 =	sadd.s32 $0x88, s3;
	s6 =	simm.s32 @!p1 $0x1082;
	[sflag:s4] =	ssyncset.s32 $0xFFFFF086  }
0x25: {  	[simem:s6], [sflag:s4] =	dma.local [hbm:s3], $0xF7A  }
0x26: {  	[smem:$0x3F9B] =	sst s1;
	(tag) =	ssettag s2;
	_ =	strace s9  }
0x27: {  	s1 =	sld [smem:$0x3FAB]  }
0x28: {  	s2 =	sld [smem:$0x3FAC]  }
0x29: {  	s4 =	sld [smem:$0x3FAE]  }
0x2a: {  	p0 =	seq.s32 s5, $0x0;
	s5 =	sld [smem:$0x3FAF]  }
0x2b: {  	s6 =	sld [smem:$0x3FB0]  }
0x2c: {  	s7 =	sld [smem:$0x3FB1]  }
0x2d: {  	s3 =	simm.s32 $0x108;
	s8 =	sld [smem:$0x3FB2]  }
0x2e: {  	s3 =	simm.s32 @!p0 $0x1082;
	s9 =	sld [smem:$0x3FB3]  }
0x2f: {  	lr =	sadd.s32 s0, s3;
	s0 =	sld [smem:$0x3FAA]  }
0x30: {  	s3 =	sld [smem:$0x3FAD]  }
0x31: {  	[smem:$0x3FB6] =	sst s10  }
0x32: {  	s10 =	sld [smem:$0x3FB4];
	_ =	sdelay $0x3  }
0x33: {  	p0 =	seq.s32 s10, $0x1;
	s10 =	sld [smem:$0x3FB6];
	_ =	sdelay $0x3  }
0x34: {  	[smem:$0x3FB6] =	sst s10  }
0x35: {  	s10 =	sld [smem:$0x3FB5];
	_ =	sdelay $0x3  }
0x36: {  	p1 =	seq.s32 s10, $0x1;
	s10 =	sld [smem:$0x3FB6];
	_ =	sdelay $0x3  }
0x37: {  	[smem:$0x3FB6] =	sst s10  }
0x38: {  	s10 =	sld [smem:$0x3FB7]  }
0x39: {  	_ = 	snop;
	(pc) =	sbr.ind lr, $3  }
0x3a: {  	_ = 	snop  }
0x3b: {  	_ = 	snop  }
0x3c: {  	p2 =	seq.s32 s10, $0x1;
	s10 =	sld [smem:$0x3FB6]  }
0x3d: {  	_ =	shalt  }
0x3e: {  	_ =	shalt  }
0x3f: {  	_ =	shalt  }
0x40: {  	_ =	shalt  }
0x41: {  	_ =	shalt  }
0x42: {  	_ =	shalt  }
0x43: {  	_ =	shalt  }
0x44: {  	_ =	shalt  }
0x45: {  	_ =	shalt  }
0x46: {  	_ =	shalt  }
0x47: {  	_ =	shalt  }
0x48: {  	_ =	shalt  }
0x49: {  	_ =	shalt  }
0x4a: {  	_ =	shalt  }
0x4b: {  	_ =	shalt  }
0x4c: {  	_ =	shalt  }
0x4d: {  	_ =	shalt  }
0x4e: {  	_ =	shalt  }
0x4f: {  	_ =	shalt  }
0x50: {  	_ =	shalt  }
0x51: {  	_ =	shalt  }
0x52: {  	_ =	shalt  }
0x53: {  	_ =	shalt  }
0x54: {  	_ =	shalt  }
0x55: {  	_ =	shalt  }
0x56: {  	_ =	shalt  }
0x57: {  	_ =	shalt  }
0x58: {  	_ =	shalt  }
0x59: {  	_ =	shalt  }
0x5a: {  	_ =	shalt  }
0x5b: {  	_ =	shalt  }
0x5c: {  	_ =	shalt  }
0x5d: {  	_ =	shalt  }
0x5e: {  	_ =	shalt  }
0x5f: {  	_ =	shalt  }
0x60: {  	_ =	shalt  }
0x61: {  	_ =	shalt  }
0x62: {  	_ =	shalt  }
0x63: {  	_ =	shalt  }
0x64: {  	_ =	shalt  }
0x65: {  	_ =	shalt  }
0x66: {  	_ =	shalt  }
0x67: {  	_ =	shalt  }
0x68: {  	_ =	shalt  }
0x69: {  	_ =	shalt  }
0x6a: {  	_ =	shalt  }
0x6b: {  	_ =	shalt  }
0x6c: {  	_ =	shalt  }
0x6d: {  	_ =	shalt  }
0x6e: {  	_ =	shalt  }
0x6f: {  	_ =	shalt  }
0x70: {  	_ =	shalt  }
0x71: {  	_ =	shalt  }
0x72: {  	_ =	shalt  }
0x73: {  	_ =	shalt  }
0x74: {  	_ =	shalt  }
0x75: {  	_ =	shalt  }
0x76: {  	_ =	shalt  }
0x77: {  	_ =	shalt  }
0x78: {  	_ =	shalt  }
0x79: {  	_ =	shalt  }
0x7a: {  	_ =	shalt  }
0x7b: {  	_ =	shalt  }
0x7c: {  	_ =	shalt  }
0x7d: {  	_ =	shalt  }
0x7e: {  	_ =	shalt  }
0x7f: {  	_ =	shalt  }
0x80: {  	_ =	shalt  }
0x81: {  	_ =	shalt  }
0x82: {  	_ =	shalt  }
0x83: {  	_ =	shalt  }
0x84: {  	_ =	shalt  }
0x85: {  	_ =	shalt  }
0x86: {  	_ =	shalt  }
0x87: {  	_ =	shalt  }
.Lfunc_end0:
.L_simem_size_0:
called_computation.2_lowered:
.L_overlay_start_0:
0x88: {  	s2 =	sld [smem:$0x3FD9]  }
0x89: {  	s3 =	sld [smem:$0x3FFE];
	_ =	sdelay $0x1  }
0x8a: {  	s1 =	srdreg.scid  }
0x8b: {  	s0 =	sand.u32 $0x1, s1  }
0x8c: {  	s17 =	sshll.u32 s0, $0xA;
	s2 =	sadd.s32 s3, s2  }
0x8d: {  	s2 =	sadd.s32 s2, s17  }
0x8e: {  	[smem:$0x3FC2] =	sst s2  }
0x8f: {  	_ = 	snop  }
0x90: {  	s2 =	sld [smem:$0x3FD0];
	(tm) =	ssettm $0x1  }
0x91: {  	s18 =	sld [smem:$0x3FFB];
	_ =	sdelay $0x3  }
0x92: {  	_ =	strace s18  }
0x93: {  	s3 =	sld [smem:$0x3FFC];
	_ =	sdelay $0x3  }
0x94: {  	_ =	strace s3  }
0x95: {  	s3 =	sld [smem:$0x3FFD];
	_ =	sdelay $0x3  }
0x96: {  	_ =	strace s3  }
0x97: {  	_ =	strace $0x8FFFFFFF  }
0x98: {  	s19 =	sld [smem:$0x3FDB];
	_ =	sdelay $0x1  }
0x99: {  	s4 =	simm.s32 $_scs_section_size  }
0x9a: {  	s5 =	simm.s32 $_size__tile_overlayer_lowered;
	s6 =	simm.s32 $_tile_overlayer_lowered  }
0x9b: {  	s22 =	simm.s32 $0x1BFF;
	s21 =	sshll.u32 s6, $0x1;
	s3 =	sadd.s32 s4, s19  }
0x9c: {  	s7 =	simm.s32 $0x0;
	s20 =	sshll.u32 s5, $0x1;
	s5 =	sadd.s32 s21, s3  }
0x9d: {  	[timem:s7], [sflag:s22] =	dma.local [hbm:s5], s20  }
0x9e: {  	_ =	swait.ge [sflag:s22], s20  }
0x9f: {  	s4 =	ssub.s32 $0x0, s20;
	[sflag:s22] =	ssyncset.done $0x0  }
0xa0: {  	[sflag:s22] =	ssyncadd.s32 s4;
	_ =	sdelay $0x1  }
0xa1: {  	s23 =	simm.s32 $0x1B8B  }
0xa2: {  	_ =	swait.ge [sflag:s23], $0x1  }
0xa3: {  	[sflag:s23] =	ssyncset.done $0x0  }
0xa4: {  	s25 =	simm.s32 $0x1B8E;
	s24 =	sld [smem:$0x3FFE];
	[sflag:s23] =	ssyncadd.s32 $0xFFFFFFFF  }
0xa5: {  	s26 =	simm.s32 $execute0_lowered;
	[smem:$0x3FD2] =	sst s25  }
0xa6: {  	s5 =	sshll.u32 s26, $0x1;
	_ =	strace $0x8000004C;
	[dreg:$0x1] =	wrdreg $0xFFFFFFFF  }
0xa7: {  	s28 =	simm.s32 $_size_execute0_lowered;
	s3 =	sadd.s32 s3, s5;
	[dreg:$0x0] =	wrdreg $0x0  }
0xa8: {  	s5 =	sshll.u32 s28, $0x1;
	[dreg:$0x2] =	wrdreg s3  }
0xa9: {  	[dreg:$0x3] =	wrdreg s5  }
0xaa: {  	[dreg:$0x4] =	wrdreg $0xC0  }
0xab: {  	_ =	task [dreg:s7], $0x5FFFF  }
0xac: {  	[dreg:$0x1] =	wrdreg $0xFFFFFFFF  }
0xad: {  	[dreg:$0x0] =	wrdreg $0x60  }
0xae: {  	[dreg:$0x2] =	wrdreg s24  }
0xaf: {  	[dreg:$0x3] =	wrdreg s2  }
0xb0: {  	[dreg:$0x4] =	wrdreg $0x0  }
0xb1: {  	[dreg:$0x5] =	wrdreg $0x9  }
0xb2: {  	_ =	task.clear_ibuf [dreg:s7], $0x6FFFF;
	_ =	strace $0x9000004C  }
0xb3: {  	s29 =	simm.s32 $0x9;
	_ =	strace $0x8000004E  }
0xb4: {  	_ =	swait.ge [sflag:s29], $0x1  }
0xb5: {  	[sflag:s29] =	ssyncadd.s32 $0xFFFFFFFF  }
0xb6: {  	_ =	strace $0x9000004E  }
0xb7: {  	_ =	sfence  }
0xb8: {  	s30 =	sld [smem:$0x0];
	_ =	sdelay $0x2  }
0xb9: {  	s31 =	sshll.u32 s1, $0xD;
	s1 =	sshrl.u32 s1, $0x2  }
0xba: {  	s3 =	sand.u32 $0x4000, s31;
	s1 =	sadd.s32 s1, s30  }
0xbb: {  	s0 =	sor.u32 s3, s0;
	s1 =	sshll.u32 s1, $0x11  }
0xbc: {  	s0 =	sor.u32 s1, s0  }
0xbd: {  	s0 =	sadd.s32 $0x8F2B, s0  }
0xbe: {  	[sflag:s0] =	ssyncadd.remote.s32 $0x1  }
0xbf: {  	_ =	sfence.sel $0xFFFF  }
0xc0: {  	[dreg:$0x0] =	wrdreg $0xFFFFFFFF;
	(pc) =	sbr.abs _section_cstart, $3  }
0xc1: {  	[dreg:$0x1] =	wrdreg $0xFFFFFFFF  }
0xc2: {  	_ =	task.clear_ibuf [dreg:s7], $0x2FFFF;
	_ =	strace $0x9FFFFFFF  }
0xc3: {  	(tm) =	ssettm $0x7FFFFFFF  }
tec
execute0_lowered:
.L_overlay_start_1:
0x0: {  	(tag) =	ssettag $0x1  }
0x1: {  	s6 =	rddreg [dreg:$0x0]  }
0x2: {  	s2 =	rddreg [dreg:$0x1];
	s0 =	stileid.u32  }
0x3: {  	s1 =	srdreg.scid;
	s3 =	rddreg [dreg:$0x2]  }
0x4: {  	s4 =	simm.s32 $0x0;
	s15 =	simm.s32 $0x80;
	s16 =	simm.s32 $0x17000  }
0x5: {  	s17 =	simm.s32 $0x1B000;
	s18 =	simm.s32 $0x1;
	s7 =	smul.u32 $0x2800, s0  }
0x6: {  	s8 =	sand.u32 $0x1, s1;
	s1 =	rddreg [dreg:$0x3];
	s10 =	smul.u32 $0x14000, s0  }
0x7: {  	s19 =	simm.s32 $0x0;
	[smem:$0x7FF] =	sst s4;
	s30 =	smul.u32 $0x50000, s0  }
0x8: {  	s5 =	sadd.s32 $0x57000, s6;
	s13 =	sshll.u32 s0, $0x6;
	s9 =	smul.u32 $0x140000, s8  }
0x9: {  	_ =	strace $0x8000004D;
	s12 =	ssub.s32 $0x2, s8;
	s8 =	smul.u32 $0x28000, s8  }
0xa: {  	s13 =	sor.u32 $0x1C02, s13;
	s11 =	sshrl.u32 s7, $0x3;
	s31 =	sshrl.u32 s12, $0x1  }
0xb: {  	s9 =	sadd.s32 s10, s9;
	s11 =	sadd.s32 s11, s6;
	s10 =	sshrl.u32 s30, $0x2  }
0xc: {  	s12 =	ssub.s32 s12, s31;
	s9 =	sshrl.u32 s9, $0x3;
	s14 =	sadd.s32 s10, s3  }
0xd: {  	s10 =	smax.u32 s12, $0x1;
	s12 =	simm.s32 $0x2;
	s9 =	sadd.s32 s9, s6  }
0xe: {  	s6 =	sadd.s32 s7, s8;
	s7 =	sadd.s32 $0x2000, s11;
	s11 =	simm.s32 $0x14800  }
0xf: {  	s14 =	sshrl.u32 s14, $0x3;
	s8 =	sadd.s32 s5, s6;
	s9 =	sadd.s32 $0xA7000, s9  }
.LBB2_1:
0x10: {  	[tilespmem:s11], [sflag:$0x2] =	stream.linear.gather [hbm4b:s7+s4], $0x2800, $0x38;
	[tilespmem:$0x1F000] =	vst v63  }
0x11: {  	_ =	swait.ge [sflag:s12], $0x2800  }
0x12: {  	[sflag:s12] =	ssyncset.done $0x0  }
0x13: {  	[sflag:s12] =	ssyncadd.s32 $0xFFFFD800  }
0x14: {  	[spmem:s14], [sflag:s13] =	dma.local [hbm:s8], $0x2800  }
0x15: {  	p0 =	por $0x0, $0x0;
	_ =	swait.ge [sflag:s12], $0x2800  }
0x16: {  	s20 =	sadd.s32 @!p0 $0x0, s6;
	s21 =	simm.s32 @!p0 $0x14000;
	[sflag:s12] =	ssyncset.done $0x0  }
0x17: {  	s22 =	simm.s32 @!p0 $0x2;
	s20 =	sshrl.u32 @!p0 s20, $0x3;
	[sflag:s12] =	ssyncadd.s32 $0xFFFFD800  }
0x18: {  	s23 =	simm.s32 @!p0 $0x0;
	s20 =	sadd.s32 @!p0 s2, s20;
	[bflag:$0x0] =	sbarrier.arrive $0xFFFF  }
0x19: {  	[tilespmem:s21], [sflag:$0x2] =	stream.linear.gather @!p0 [hbm4b:s20+s23], $0x800, $0x38;
	[tilespmem:$0x1F000] =	vst v63  }
0x1a: {  	_ =	swait.ge @!p0 [sflag:s22], $0x800  }
0x1b: {  	[sflag:s22] =	ssyncset.done @!p0 $0x0  }
0x1c: {  	s29 =	simm.s32 $0x14000;
	[sflag:s22] =	ssyncadd.s32 @!p0 $0xFFFFF800  }
0x1d: {  	[tilespmem:s16], [sflag:$0x1] =	stream.indirect.gather [hbm4b:s5+s15], $0x80, s29, s15, $0xb8;
	[tilespmem:$0x1F000] =	vst v63  }
0x1e: {  	s30 =	simm.s32 $0x14080  }
0x1f: {  	[tilespmem:s17], [sflag:$0x1] =	stream.indirect.gather [hbm4b:s5+s15], $0x80, s30, s15, $0xb8;
	[tilespmem:$0x1F000] =	vst v63  }
0x20: {  	_ =	swait.ge [sflag:s18], $0x4000  }
0x21: {  	[sflag:s18] =	ssyncset.done $0x0  }
0x22: {  	s31 =	simm.s32 $0x14800;
	[sflag:s18] =	ssyncadd.s32 $0xFFFFC000  }
0x23: {  	[spmem:s3] =	stream.indirect.scatter.add.f32 [tilespmem:s16], [sflag:$0x2], $0x80, s31, s15, $0xb8;
	[tilespmem:$0x1F000] =	vst v63  }
0x24: {  	_ =	swait.ge [sflag:s12], $0x4000  }
0x25: {  	s24 =	simm.s32 $0x14880;
	[sflag:s12] =	ssyncset.done $0x0  }
0x26: {  	s25 =	simm.s32 $0x0;
	s21 =	simm.s32 $0x14100;
	[sflag:s12] =	ssyncadd.s32 $0xFFFFC000  }
0x27: {  	s23 =	simm.s32 $0x2;
	p0 =	por $0x1, $0x1;
	_ =	swait.ge [sflag:s18], $0x4000  }
0x28: {  	s22 =	simm.s32 $0x2;
	s20 =	sadd.s32 @!p0 $0x0, s6;
	[sflag:s18] =	ssyncset.done $0x0  }
0x29: {  	s26 =	sshrl.u32 @!p0 s20, $0x3;
	s20 =	simm.s32 $0x14980;
	[sflag:s18] =	ssyncadd.s32 $0xFFFFC000  }
.LBB2_2:
0x2a: {  	[spmem:s3] =	stream.indirect.scatter.add.f32 [tilespmem:s17], [sflag:$0x2], $0x80, s24, s15, $0xb8;
	[tilespmem:$0x1F000] =	vst v63  }
0x2b: {  	s28 =	smov.u32 s22;
	s22 =	sadd.s32 $0x1, s22;
	_ =	swait.ge [sflag:s12], $0x4000  }
0x2c: {  	s24 =	simm.s32 @!p0 $0x14000;
	s29 =	simm.s32 @!p0 $0x2;
	[sflag:s12] =	ssyncset.done $0x0  }
0x2d: {  	s26 =	sadd.s32 @!p0 s2, s26;
	s30 =	simm.s32 @!p0 $0x0;
	[sflag:s12] =	ssyncadd.s32 $0xFFFFC000  }
0x2e: {  	[tilespmem:s24], [sflag:$0x2] =	stream.linear.gather @!p0 [hbm4b:s26+s30], $0x800, $0x38;
	[tilespmem:$0x1F000] =	vst v63  }
0x2f: {  	p1 =	sne.s32 s22, $0x28;
	s24 =	smov.u32 s20;
	_ =	swait.ge @!p0 [sflag:s29], $0x800  }
0x30: {  	[sflag:s29] =	ssyncset.done @!p0 $0x0  }
0x31: {  	s25 =	sadd.s32 s25, s21;
	[sflag:s29] =	ssyncadd.s32 @!p0 $0xFFFFF800  }
0x32: {  	[tilespmem:s16], [sflag:$0x1] =	stream.indirect.gather [hbm4b:s5+s15], $0x80, s25, s15, $0xb8;
	[tilespmem:$0x1F000] =	vst v63  }
0x33: {  	s25 =	sadd.s32 $0x80, s25  }
0x34: {  	[tilespmem:s17], [sflag:$0x1] =	stream.indirect.gather [hbm4b:s5+s15], $0x80, s25, s15, $0xb8;
	[tilespmem:$0x1F000] =	vst v63  }
0x35: {  	_ =	swait.ge [sflag:s18], $0x4000  }
0x36: {  	[sflag:s18] =	ssyncset.done $0x0  }
0x37: {  	s21 =	sadd.s32 $0x100, s21;
	s25 =	sadd.s32 $0xFFFFFF80, s20;
	[sflag:s18] =	ssyncadd.s32 $0xFFFFC000  }
0x38: {  	[spmem:s3] =	stream.indirect.scatter.add.f32 [tilespmem:s16], [sflag:$0x2], $0x80, s25, s15, $0xb8;
	[tilespmem:$0x1F000] =	vst v63  }
0x39: {  	s23 =	sadd.s32 $0x2, s23;
	s25 =	sshrl.u32 s28, $0x3;
	_ =	swait.ge [sflag:s12], $0x4000  }
.Ltmp0:
0x3a: {  	s26 =	sshll.u32 s25, $0x4;
	[sflag:s12] =	ssyncset.done $0x0;
	(pc) =	sbr.rel @p1 .LBB2_2-.Ltmp0, $4  }
0x3b: {  	s28 =	sshll.u32 s25, $0xD;
	p0 =	sne.s32 s23, s26;
	[sflag:s12] =	ssyncadd.s32 $0xFFFFC000  }
0x3c: {  	s26 =	ssub.s32 $0x0, s28;
	s28 =	sshll.u32 @!p0 s25, $0xB;
	_ =	swait.ge [sflag:s18], $0x4000  }
0x3d: {  	s25 =	sshra.s32 s26, $0x2;
	s26 =	sadd.s32 @!p0 s28, s6;
	[sflag:s18] =	ssyncset.done $0x0  }
0x3e: {  	s20 =	sadd.s32 $0x100, s20;
	s26 =	sshrl.u32 @!p0 s26, $0x3;
	[sflag:s18] =	ssyncadd.s32 $0xFFFFC000  }
0x3f: {  	[spmem:s3] =	stream.indirect.scatter.add.f32 [tilespmem:s17], [sflag:$0x2], $0x80, s24, s15, $0xb8;
	[tilespmem:$0x1F000] =	vst v63  }
0x40: {  	_ =	swait.ge [sflag:s12], $0x4000  }
0x41: {  	s22 =	simm.s32 @!p0 $0x14000;
	s23 =	simm.s32 @!p0 $0x2;
	[sflag:s12] =	ssyncset.done $0x0  }
0x42: {  	s24 =	sadd.s32 @!p0 s2, s26;
	s26 =	simm.s32 @!p0 $0x0;
	[sflag:s12] =	ssyncadd.s32 $0xFFFFC000  }
0x43: {  	[tilespmem:s22], [sflag:$0x2] =	stream.linear.gather @!p0 [hbm4b:s24+s26], $0x800, $0x38;
	[tilespmem:$0x1F000] =	vst v63  }
0x44: {  	_ =	swait.ge @!p0 [sflag:s23], $0x800  }
0x45: {  	[sflag:s23] =	ssyncset.done @!p0 $0x0  }
0x46: {  	s21 =	sadd.s32 s25, s21;
	[sflag:s23] =	ssyncadd.s32 @!p0 $0xFFFFF800  }
0x47: {  	[tilespmem:s16], [sflag:$0x1] =	stream.indirect.gather [hbm4b:s5+s15], $0x80, s21, s15, $0xb8;
	[tilespmem:$0x1F000] =	vst v63  }
0x48: {  	s21 =	sadd.s32 $0x80, s21  }
0x49: {  	[tilespmem:s17], [sflag:$0x1] =	stream.indirect.gather [hbm4b:s5+s15], $0x80, s21, s15, $0xb8;
	[tilespmem:$0x1F000] =	vst v63  }
0x4a: {  	_ =	swait.ge [sflag:s18], $0x4000  }
0x4b: {  	[sflag:s18] =	ssyncset.done $0x0  }
0x4c: {  	s31 =	sadd.s32 $0xFFFFFF80, s20;
	[sflag:s18] =	ssyncadd.s32 $0xFFFFC000  }
0x4d: {  	[spmem:s3] =	stream.indirect.scatter.add.f32 [tilespmem:s16], [sflag:$0x2], $0x80, s31, s15, $0xb8;
	[tilespmem:$0x1F000] =	vst v63  }
0x4e: {  	_ =	swait.ge [sflag:s12], $0x4000  }
0x4f: {  	[sflag:s12] =	ssyncset.done $0x0  }
0x50: {  	[sflag:s12] =	ssyncadd.s32 $0xFFFFC000  }
0x51: {  	_ =	swait.ge [sflag:s18], $0x4000  }
0x52: {  	[sflag:s18] =	ssyncset.done $0x0  }
0x53: {  	[sflag:s18] =	ssyncadd.s32 $0xFFFFC000  }
0x54: {  	[spmem:s3] =	stream.indirect.scatter.add.f32 [tilespmem:s17], [sflag:$0x2], $0x80, s20, s15, $0xb8;
	[tilespmem:$0x1F000] =	vst v63  }
0x55: {  	_ =	swait.ge [sflag:s12], $0x4000  }
0x56: {  	s19 =	sadd.s32 $0x1, s19;
	[sflag:s12] =	ssyncset.done $0x0  }
0x57: {  	p0 =	sne.s32 s19, s10;
	[sflag:s12] =	ssyncadd.s32 $0xFFFFC000  }
.Ltmp1:
0x58: {  	[bflag:$0x0] =	sbarrier.arrive $0xFFFF;
	(pc) =	sbr.rel @p0 .LBB2_1-.Ltmp1, $4  }
0x59: {  	[hbm:s9], [sflag:s13] =	dma.local [spmem:s14], $0x2800  }
0x5a: {  	_ =	swait.ge [sflag:s12], $0x2800  }
0x5b: {  	[sflag:s12] =	ssyncset.done $0x0  }
0x5c: {  	[sflag:s12] =	ssyncadd.s32 $0xFFFFD800  }
0x5d: {  	_ =	sfence.sel $0x180000  }
0x5e: {  	[bflag:$0x0] =	sbarrier.arrive $0xFFFF  }
0x5f: {  	p0 =	sne.s32 s0, $0x0;
	_ =	strace $0x9000004D  }
0x60: {  	s0 =	sadd.s32 @!p0 $0x100000, s1;
	[bflag:$0x2] =	sbarrier.arrive $0xFFFF  }
0x61: {  	[sflag:s0] =	ssyncadd.tile.s32 @!p0 $0x1;
	_ =	shalt  }
.Lfunc_end2:
_tile_overlayer_lowered:
.L_overlay_start_2:
0x62: {  	(tag) =	ssettag $0x2  }
0x63: {  	s0 =	rddreg [dreg:$0x0];
	s2 =	stileid.u32  }
0x64: {  	s1 =	rddreg [dreg:$0x1];
	p0 =	sne.s32 s2, $0x0  }
0x65: {  	s3 =	rddreg [dreg:$0x2];
	[bflag:$0x3] =	sbarrier.arrive $0xFFFF;
	s2 =	simm.s32 @!p0 $0x1C02  }
0x66: {  	[timem:s3], [sflag:s2] =	dma.local @!p0 [hbm:s0], s1  }
0x67: {  	s0 =	simm.s32 @!p0 $0x2  }
0x68: {  	_ =	swait.ge @!p0 [sflag:s0], s1  }
0x69: {  	s1 =	ssub.s32 @!p0 $0x0, s1;
	[sflag:s0] =	ssyncset.done @!p0 $0x0  }
0x6a: {  	[sflag:s0] =	ssyncadd.s32 @!p0 s1  }
0x6b: {  	[bflag:$0x3] =	sbarrier.arrive $0xFFFF  }
0x6c: {  	_ =	shalt  }

// kernel: kernel.8.cloned.1.call-start
scs
__scs_entry_jumppad:
0x0: {  	(pc) =	sbr.rel $0x88, $3  }
0x1: {  	(tag) =	ssettag $0x0;
	lr =	simm.s32 $0x1  }
0x2: {  	[smem:$0x3F9B] =	sst lr;
	_ =	strace $0xD0000000  }
0x3: {  	_ = 	snop  }
0x4: {  	_ = 	snop  }
0x5: {  	_ = 	snop  }
0x6: {  	_ = 	snop  }
0x7: {  	_ = 	snop  }
__scs_overlays_trampoline_lowered:
0x8: {  	[smem:$0x3FAA] =	sst s0  }
0x9: {  	[smem:$0x3FAB] =	sst s1  }
0xa: {  	[smem:$0x3FAC] =	sst s2  }
0xb: {  	[smem:$0x3FAD] =	sst s3  }
0xc: {  	[smem:$0x3FAE] =	sst s4  }
0xd: {  	[smem:$0x3FAF] =	sst s5  }
0xe: {  	[smem:$0x3FB0] =	sst s6  }
0xf: {  	[smem:$0x3FB1] =	sst s7  }
0x10: {  	[smem:$0x3FB2] =	sst s8  }
0x11: {  	[smem:$0x3FB3] =	sst s9;
	s0 =	simm.s32 @!p0 $0x0  }
0x12: {  	s1 =	sld [smem:$0x3F99];
	s0 =	simm.s32 @p0 $0x1  }
0x13: {  	[smem:$0x3FB4] =	sst s0;
	s0 =	simm.s32 @!p1 $0x0  }
0x14: {  	s2 =	sld [smem:$0x3F98];
	s0 =	simm.s32 @p1 $0x1  }
0x15: {  	[smem:$0x3FB5] =	sst s0;
	s0 =	simm.s32 @!p2 $0x0  }
0x16: {  	s3 =	sld [smem:$0x3FDB];
	s0 =	simm.s32 @p2 $0x1  }
0x17: {  	s4 =	simm.s32 $0x1BF5;
	[smem:$0x3FB7] =	sst s0  }
0x18: {  	s0 =	sld [smem:$0x3F9A];
	_ =	swait.ge [sflag:s4], $0x0  }
0x19: {  	s7 =	sld [smem:$0x3F9B]  }
0x1a: {  	s8 =	sadd.s32 $0xFFFFE003, lr  }
0x1b: {  	s9 =	sadd.s32 $0xFFFFFEF7, lr;
	s5 =	simm.s32 $0xFFFFFFFF;
	p2 =	slt.u32 s8, $0xFFFFF086  }
0x1c: {  	p1 =	slt.u32 s9, $0xF7A;
	s5 =	simm.s32 @!p2 $0x0  }
0x1d: {  	s5 =	simm.s32 @p1 $0x1;
	p0 =	seq.s32 s7, s2  }
0x1e: {  	s7 =	smul.u32 @!p0 $0xF7A, s2;
	p2 =	seq.s32 @!p0 s5, $0x0  }
0x1f: {  	s9 =	smul.u32 $0xF7A, s1;
	s8 =	simm.s32 @!p0 $0x1BF5;
	p2 =	por !p2, p0  }
0x20: {  	[sflag:s8] =	ssyncset.s32 @!p0 $0xFFFFF086;
	s6 =	sadd.s32 @!p0 s3, s7;
	s7 =	simm.s32 @!p0 $0x108  }
0x21: {  	s3 =	sadd.s32 s3, s9;
	s6 =	sadd.s32 @!p0 $0x88, s6;
	s7 =	simm.s32 @p2 $0x1082  }
0x22: {  	[simem:s7], [sflag:s8] =	dma.local @!p0 [hbm:s6], $0xF7A  }
0x23: {  	s9 =	sor.u32 $0xD0000000, s2;
	s6 =	simm.s32 $0x108;
	_ =	swait.ge @!p0 [sflag:s8], $0x0  }
0x24: {  	s3 =	sadd.s32 $0x88, s3;
	s6 =	simm.s32 @!p1 $0x1082;
	[sflag:s4] =	ssyncset.s32 $0xFFFFF086  }
0x25: {  	[simem:s6], [sflag:s4] =	dma.local [hbm:s3], $0xF7A  }
0x26: {  	[smem:$0x3F9B] =	sst s1;
	(tag) =	ssettag s2;
	_ =	strace s9  }
0x27: {  	s1 =	sld [smem:$0x3FAB]  }
0x28: {  	s2 =	sld [smem:$0x3FAC]  }
0x29: {  	s4 =	sld [smem:$0x3FAE]  }
0x2a: {  	p0 =	seq.s32 s5, $0x0;
	s5 =	sld [smem:$0x3FAF]  }
0x2b: {  	s6 =	sld [smem:$0x3FB0]  }
0x2c: {  	s7 =	sld [smem:$0x3FB1]  }
0x2d: {  	s3 =	simm.s32 $0x108;
	s8 =	sld [smem:$0x3FB2]  }
0x2e: {  	s3 =	simm.s32 @!p0 $0x1082;
	s9 =	sld [smem:$0x3FB3]  }
0x2f: {  	lr =	sadd.s32 s0, s3;
	s0 =	sld [smem:$0x3FAA]  }
0x30: {  	s3 =	sld [smem:$0x3FAD]  }
0x31: {  	[smem:$0x3FB6] =	sst s10  }
0x32: {  	s10 =	sld [smem:$0x3FB4];
	_ =	sdelay $0x3  }
0x33: {  	p0 =	seq.s32 s10, $0x1;
	s10 =	sld [smem:$0x3FB6];
	_ =	sdelay $0x3  }
0x34: {  	[smem:$0x3FB6] =	sst s10  }
0x35: {  	s10 =	sld [smem:$0x3FB5];
	_ =	sdelay $0x3  }
0x36: {  	p1 =	seq.s32 s10, $0x1;
	s10 =	sld [smem:$0x3FB6];
	_ =	sdelay $0x3  }
0x37: {  	[smem:$0x3FB6] =	sst s10  }
0x38: {  	s10 =	sld [smem:$0x3FB7]  }
0x39: {  	_ = 	snop;
	(pc) =	sbr.ind lr, $3  }
0x3a: {  	_ = 	snop  }
0x3b: {  	_ = 	snop  }
0x3c: {  	p2 =	seq.s32 s10, $0x1;
	s10 =	sld [smem:$0x3FB6]  }
0x3d: {  	_ =	shalt  }
0x3e: {  	_ =	shalt  }
0x3f: {  	_ =	shalt  }
0x40: {  	_ =	shalt  }
0x41: {  	_ =	shalt  }
0x42: {  	_ =	shalt  }
0x43: {  	_ =	shalt  }
0x44: {  	_ =	shalt  }
0x45: {  	_ =	shalt  }
0x46: {  	_ =	shalt  }
0x47: {  	_ =	shalt  }
0x48: {  	_ =	shalt  }
0x49: {  	_ =	shalt  }
0x4a: {  	_ =	shalt  }
0x4b: {  	_ =	shalt  }
0x4c: {  	_ =	shalt  }
0x4d: {  	_ =	shalt  }
0x4e: {  	_ =	shalt  }
0x4f: {  	_ =	shalt  }
0x50: {  	_ =	shalt  }
0x51: {  	_ =	shalt  }
0x52: {  	_ =	shalt  }
0x53: {  	_ =	shalt  }
0x54: {  	_ =	shalt  }
0x55: {  	_ =	shalt  }
0x56: {  	_ =	shalt  }
0x57: {  	_ =	shalt  }
0x58: {  	_ =	shalt  }
0x59: {  	_ =	shalt  }
0x5a: {  	_ =	shalt  }
0x5b: {  	_ =	shalt  }
0x5c: {  	_ =	shalt  }
0x5d: {  	_ =	shalt  }
0x5e: {  	_ =	shalt  }
0x5f: {  	_ =	shalt  }
0x60: {  	_ =	shalt  }
0x61: {  	_ =	shalt  }
0x62: {  	_ =	shalt  }
0x63: {  	_ =	shalt  }
0x64: {  	_ =	shalt  }
0x65: {  	_ =	shalt  }
0x66: {  	_ =	shalt  }
0x67: {  	_ =	shalt  }
0x68: {  	_ =	shalt  }
0x69: {  	_ =	shalt  }
0x6a: {  	_ =	shalt  }
0x6b: {  	_ =	shalt  }
0x6c: {  	_ =	shalt  }
0x6d: {  	_ =	shalt  }
0x6e: {  	_ =	shalt  }
0x6f: {  	_ =	shalt  }
0x70: {  	_ =	shalt  }
0x71: {  	_ =	shalt  }
0x72: {  	_ =	shalt  }
0x73: {  	_ =	shalt  }
0x74: {  	_ =	shalt  }
0x75: {  	_ =	shalt  }
0x76: {  	_ =	shalt  }
0x77: {  	_ =	shalt  }
0x78: {  	_ =	shalt  }
0x79: {  	_ =	shalt  }
0x7a: {  	_ =	shalt  }
0x7b: {  	_ =	shalt  }
0x7c: {  	_ =	shalt  }
0x7d: {  	_ =	shalt  }
0x7e: {  	_ =	shalt  }
0x7f: {  	_ =	shalt  }
0x80: {  	_ =	shalt  }
0x81: {  	_ =	shalt  }
0x82: {  	_ =	shalt  }
0x83: {  	_ =	shalt  }
0x84: {  	_ =	shalt  }
0x85: {  	_ =	shalt  }
0x86: {  	_ =	shalt  }
0x87: {  	_ =	shalt  }
.Lfunc_end0:
.L_simem_size_0:
called_computation_lowered:
.L_overlay_start_0:
0x88: {  	s2 =	sld [smem:$0x3FD9]  }
0x89: {  	s3 =	sld [smem:$0x3FFE];
	_ =	sdelay $0x1  }
0x8a: {  	s1 =	srdreg.scid  }
0x8b: {  	s0 =	sand.u32 $0x1, s1  }
0x8c: {  	s16 =	sshll.u32 s0, $0xA;
	s2 =	sadd.s32 s3, s2  }
0x8d: {  	s2 =	sadd.s32 s2, s16  }
0x8e: {  	[smem:$0x3FC2] =	sst s2  }
0x8f: {  	_ = 	snop  }
0x90: {  	(tm) =	ssettm $0x1  }
0x91: {  	s17 =	sld [smem:$0x3FFB];
	_ =	sdelay $0x3  }
0x92: {  	_ =	strace s17  }
0x93: {  	s2 =	sld [smem:$0x3FFC];
	_ =	sdelay $0x3  }
0x94: {  	_ =	strace s2  }
0x95: {  	s2 =	sld [smem:$0x3FFD];
	_ =	sdelay $0x3  }
0x96: {  	_ =	strace s2  }
0x97: {  	_ =	strace $0x8FFFFFFF  }
0x98: {  	s18 =	sld [smem:$0x3FDB];
	_ =	sdelay $0x1  }
0x99: {  	s19 =	simm.s32 $_scs_section_size  }
0x9a: {  	s4 =	simm.s32 $_size__tile_overlayer_lowered;
	s5 =	simm.s32 $_tile_overlayer_lowered  }
0x9b: {  	s22 =	simm.s32 $0x1BFF;
	s21 =	sshll.u32 s5, $0x1;
	s2 =	sadd.s32 s19, s18  }
0x9c: {  	s6 =	simm.s32 $0x0;
	s20 =	sshll.u32 s4, $0x1;
	s4 =	sadd.s32 s21, s2  }
0x9d: {  	[timem:s6], [sflag:s22] =	dma.local [hbm:s4], s20  }
0x9e: {  	_ =	swait.ge [sflag:s22], s20  }
0x9f: {  	s3 =	ssub.s32 $0x0, s20;
	[sflag:s22] =	ssyncset.done $0x0  }
0xa0: {  	[sflag:s22] =	ssyncadd.s32 s3;
	_ =	sdelay $0x1  }
0xa1: {  	s23 =	simm.s32 $0x1B8B  }
0xa2: {  	_ =	swait.ge [sflag:s23], $0x1  }
0xa3: {  	[sflag:s23] =	ssyncset.done $0x0  }
0xa4: {  	s25 =	simm.s32 $0x1B8E;
	s24 =	sld [smem:$0x3FFE];
	[sflag:s23] =	ssyncadd.s32 $0xFFFFFFFF  }
0xa5: {  	s26 =	simm.s32 $execute0_lowered;
	[smem:$0x3FD2] =	sst s25  }
0xa6: {  	s4 =	sshll.u32 s26, $0x1;
	_ =	strace $0x80000046;
	[dreg:$0x1] =	wrdreg $0xFFFFFFFF  }
0xa7: {  	s28 =	simm.s32 $_size_execute0_lowered;
	s2 =	sadd.s32 s2, s4;
	[dreg:$0x0] =	wrdreg $0x0  }
0xa8: {  	s4 =	sshll.u32 s28, $0x1;
	[dreg:$0x2] =	wrdreg s2  }
0xa9: {  	[dreg:$0x3] =	wrdreg s4  }
0xaa: {  	[dreg:$0x4] =	wrdreg $0xC0  }
0xab: {  	_ =	task [dreg:s6], $0x5FFFF  }
0xac: {  	[dreg:$0x1] =	wrdreg $0xFFFFFFFF  }
0xad: {  	[dreg:$0x0] =	wrdreg $0x60  }
0xae: {  	[dreg:$0x2] =	wrdreg s24  }
0xaf: {  	[dreg:$0x3] =	wrdreg $0x0  }
0xb0: {  	[dreg:$0x4] =	wrdreg $0x9  }
0xb1: {  	_ =	task.clear_ibuf [dreg:s6], $0x5FFFF;
	_ =	strace $0x90000046  }
0xb2: {  	s29 =	simm.s32 $0x9;
	_ =	strace $0x80000048  }
0xb3: {  	_ =	swait.ge [sflag:s29], $0x1  }
0xb4: {  	[sflag:s29] =	ssyncadd.s32 $0xFFFFFFFF  }
0xb5: {  	_ =	strace $0x90000048  }
0xb6: {  	_ =	sfence  }
0xb7: {  	s30 =	sld [smem:$0x0];
	_ =	sdelay $0x2  }
0xb8: {  	s31 =	sshll.u32 s1, $0xD;
	s1 =	sshrl.u32 s1, $0x2  }
0xb9: {  	s3 =	sand.u32 $0x4000, s31;
	s1 =	sadd.s32 s1, s30  }
0xba: {  	s0 =	sor.u32 s3, s0;
	s1 =	sshll.u32 s1, $0x11  }
0xbb: {  	s0 =	sor.u32 s1, s0  }
0xbc: {  	s0 =	sadd.s32 $0x8F2B, s0  }
0xbd: {  	[sflag:s0] =	ssyncadd.remote.s32 $0x1  }
0xbe: {  	_ =	sfence.sel $0xFFFF  }
0xbf: {  	[dreg:$0x0] =	wrdreg $0xFFFFFFFF;
	(pc) =	sbr.abs _section_cstart, $3  }
0xc0: {  	[dreg:$0x1] =	wrdreg $0xFFFFFFFF  }
0xc1: {  	_ =	task.clear_ibuf [dreg:s6], $0x2FFFF;
	_ =	strace $0x9FFFFFFF  }
0xc2: {  	(tm) =	ssettm $0x7FFFFFFF  }
0xc3: {  	_ =	shalt  }
tec
execute0_lowered:
.L_overlay_start_1:
0x0: {  	(tag) =	ssettag $0x1  }
0x1: {  	s4 =	rddreg [dreg:$0x0]  }
0x2: {  	s2 =	rddreg [dreg:$0x1]  }
0x3: {  	s0 =	rddreg [dreg:$0x2];
	s1 =	stileid.u32  }
0x4: {  	s3 =	simm.s32 $0x0;
	s6 =	srdreg.scid;
	s5 =	smul.u32 $0x1400, s1  }
0x5: {  	s12 =	simm.s32 $0x7C00;
	s13 =	simm.s32 $0x1;
	s7 =	smul.u32 $0x280, s1  }
0x6: {  	s14 =	simm.s32 $0x2800;
	s15 =	simm.s32 $0x80;
	s8 =	smul.u32 $0x14000, s1  }
0x7: {  	s16 =	simm.s32 $0x3C00;
	[smem:$0x7FF] =	sst s3;
	s9 =	smul.u32 $0x2800, s1  }
0x8: {  	s6 =	sand.u32 $0x1, s6;
	s29 =	smul.u32 $0x50000, s1;
	s17 =	sshll.u32 s1, $0x6  }
0x9: {  	_ =	strace $0x80000047;
	p0 =	seq.s32 s6, $0x0;
	s5 =	sshrl.u32 s5, $0x3  }
0xa: {  	s6 =	ssub.s32 $0x2, s6;
	s17 =	sor.u32 $0x1C01, s17;
	s5 =	sadd.s32 $0x2800, s5  }
0xb: {  	s28 =	sshrl.u32 s8, $0x3;
	s30 =	sshrl.u32 s6, $0x1;
	s5 =	smov.u32 @p0 s7  }
0xc: {  	s8 =	sshrl.u32 s29, $0x2;
	s10 =	sadd.s32 s5, s4;
	s5 =	sadd.s32 $0x28000, s28  }
0xd: {  	s31 =	ssub.s32 s6, s30;
	s5 =	smov.u32 @p0 s9;
	s10 =	sadd.s32 $0x2000, s10  }
0xe: {  	s11 =	sadd.s32 s5, s4;
	s4 =	sadd.s32 s8, s2;
	s5 =	smax.u32 s31, $0x1  }
0xf: {  	vm0 =	vcmask $0x300;
	v0 =	vimm.f32 $0.0e+00;
	s6 =	sadd.s32 $0x4000, s4;
	s7 =	sadd.s32 $0x8000, s4;
	s8 =	sadd.s32 $0xC000, s4  }
0x10: {  	v1 =	vsel vm0, $0x3F800000, v0;
	s9 =	sadd.s32 $0x10000, s4;
	s11 =	sadd.s32 $0x7000, s11;
	s18 =	sshrl.u32 s4, $0x3  }
.LBB2_1:
0x11: {  	s19 =	simm.s32 $0x200;
	s20 =	simm.s32 $0x0  }
.LBB2_2:
0x12: {  	p0 =	sne.s32 s19, $0xFE00;
	[tilespmem:s20+$0x3C00] =	vst v1;
	s21 =	smov.u32 s19;
	s19 =	sadd.s32 $0x200, s19  }
.Ltmp0:
0x13: {  	[tilespmem:s20+$0x7C00] =	vst v0;
	(pc) =	sbr.rel @p0 .LBB2_2-.Ltmp0, $2  }
0x14: {  	_ =	sdelay $0x2  }
0x15: {  	s20 =	sshra.s32 s21, $0x2  }
0x16: {  	[tilespmem:s20+$0x3C00] =	vst v1  }
0x17: {  	[tilespmem:s20+$0x7C00] =	vst v0  }
0x18: {  	[spmem:s4] =	stream.linear.scatter [tilespmem:s12], [sflag:$0x1], $0x4000, $0x38;
	[tilespmem:$0xBC00] =	vst v63  }
0x19: {  	_ =	swait.ge [sflag:s13], $0x4000  }
0x1a: {  	[sflag:s13] =	ssyncset.done $0x0  }
0x1b: {  	[sflag:s13] =	ssyncadd.s32 $0xFFFFC000  }
0x1c: {  	[spmem:s6] =	stream.linear.scatter [tilespmem:s12], [sflag:$0x1], $0x4000, $0x38;
	[tilespmem:$0xBC00] =	vst v63  }
0x1d: {  	_ =	swait.ge [sflag:s13], $0x4000  }
0x1e: {  	[sflag:s13] =	ssyncset.done $0x0  }
0x1f: {  	[sflag:s13] =	ssyncadd.s32 $0xFFFFC000  }
0x20: {  	[spmem:s7] =	stream.linear.scatter [tilespmem:s12], [sflag:$0x1], $0x4000, $0x38;
	[tilespmem:$0xBC00] =	vst v63  }
0x21: {  	_ =	swait.ge [sflag:s13], $0x4000  }
0x22: {  	[sflag:s13] =	ssyncset.done $0x0  }
0x23: {  	[sflag:s13] =	ssyncadd.s32 $0xFFFFC000  }
0x24: {  	[spmem:s8] =	stream.linear.scatter [tilespmem:s12], [sflag:$0x1], $0x4000, $0x38;
	[tilespmem:$0xBC00] =	vst v63  }
0x25: {  	_ =	swait.ge [sflag:s13], $0x4000  }
0x26: {  	[sflag:s13] =	ssyncset.done $0x0  }
0x27: {  	[sflag:s13] =	ssyncadd.s32 $0xFFFFC000  }
0x28: {  	[spmem:s9] =	stream.linear.scatter [tilespmem:s12], [sflag:$0x1], $0x4000, $0x38;
	[tilespmem:$0xBC00] =	vst v63  }
0x29: {  	_ =	swait.ge [sflag:s13], $0x4000  }
0x2a: {  	[sflag:s13] =	ssyncset.done $0x0  }
0x2b: {  	s19 =	simm.s32 $0x0;
	[sflag:s13] =	ssyncadd.s32 $0xFFFFC000  }
0x2c: {  	[tilespmem:s14], [sflag:$0x1] =	stream.linear.gather [hbm4b:s10+s19], $0x1400, $0x38;
	[tilespmem:$0xBC00] =	vst v63  }
0x2d: {  	_ =	swait.ge [sflag:s13], $0x1400  }
0x2e: {  	[sflag:s13] =	ssyncset.done $0x0  }
0x2f: {  	[sflag:s13] =	ssyncadd.s32 $0xFFFFEC00  }
0x30: {  	s31 =	simm.s32 $0x2800;
	[bflag:$0x0] =	sbarrier.arrive $0xFFFF  }
0x31: {  	[spmem:s2] =	stream.indirect.scatter.add.f32 [tilespmem:s16], [sflag:$0x1], $0x10, s31, s15, $0xb8;
	[tilespmem:$0xBC00] =	vst v63  }
0x32: {  	s19 =	simm.s32 $0x200;
	_ =	swait.ge [sflag:s13], $0x800  }
.LBB2_4:
0x33: {  	s20 =	sshra.s32 s19, $0x2;
	[sflag:s13] =	ssyncset.done $0x0;
	p0 =	sne.s32 s19, $0x4E00  }
.Ltmp1:
0x34: {  	s20 =	sadd.s32 $0x2800, s20;
	[sflag:s13] =	ssyncadd.s32 $0xFFFFF800;
	(pc) =	sbr.rel @p0 .LBB2_4-.Ltmp1, $3  }
0x35: {  	[spmem:s2] =	stream.indirect.scatter.add.f32 [tilespmem:s16], [sflag:$0x1], $0x10, s20, s15, $0xb8;
	[tilespmem:$0xBC00] =	vst v63  }
0x36: {  	s19 =	sadd.s32 $0x200, s19;
	_ =	sdelay $0x1  }
0x37: {  	_ =	swait.ge [sflag:s13], $0x800  }
0x38: {  	[sflag:s13] =	ssyncset.done $0x0;
	s3 =	sadd.s32 $0x1, s3  }
0x39: {  	[sflag:s13] =	ssyncadd.s32 $0xFFFFF800;
	p0 =	sne.s32 s3, s5  }
.Ltmp2:
0x3a: {  	[bflag:$0x0] =	sbarrier.arrive $0xFFFF;
	(pc) =	sbr.rel @p0 .LBB2_1-.Ltmp2, $4  }
0x3b: {  	[hbm:s11], [sflag:s17] =	dma.local [spmem:s18], $0x2800  }
0x3c: {  	_ =	swait.ge [sflag:s13], $0x2800  }
0x3d: {  	[sflag:s13] =	ssyncset.done $0x0  }
0x3e: {  	[sflag:s13] =	ssyncadd.s32 $0xFFFFD800  }
0x3f: {  	_ =	sfence.sel $0x180000  }
0x40: {  	[bflag:$0x0] =	sbarrier.arrive $0xFFFF  }
0x41: {  	p0 =	sne.s32 s1, $0x0;
	_ =	strace $0x90000047  }
0x42: {  	s0 =	sadd.s32 @!p0 $0x100000, s0;
	[bflag:$0x2] =	sbarrier.arrive $0xFFFF  }
0x43: {  	[sflag:s0] =	ssyncadd.tile.s32 @!p0 $0x1;
	_ =	shalt  }
.Lfunc_end2:
_tile_overlayer_lowered:
.L_overlay_start_2:
0x44: {  	(tag) =	ssettag $0x2  }
0x45: {  	s0 =	rddreg [dreg:$0x0];
	s2 =	stileid.u32  }
0x46: {  	s1 =	rddreg [dreg:$0x1];
	p0 =	sne.s32 s2, $0x0  }
0x47: {  	s3 =	rddreg [dreg:$0x2];
	[bflag:$0x3] =	sbarrier.arrive $0xFFFF;
	s2 =	simm.s32 @!p0 $0x1C01  }
0x48: {  	[timem:s3], [sflag:s2] =	dma.local @!p0 [hbm:s0], s1  }
0x49: {  	s0 =	simm.s32 @!p0 $0x1  }
0x4a: {  	_ =	swait.ge @!p0 [sflag:s0], s1  }
0x4b: {  	s1 =	ssub.s32 @!p0 $0x0, s1;
	[sflag:s0] =	ssyncset.done @!p0 $0x0  }
0x4c: {  	[sflag:s0] =	ssyncadd.s32 @!p0 s1  }
0x4d: {  	[bflag:$0x3] =	sbarrier.arrive $0xFFFF  }
0x4e: {  	_ =	shalt  }

</sc_bundles>
